<compile_context>
chip_gen: v7x
topology: tpu7x:2x2x1
jax: 0.10.2.dev20260603
libtpu: 0.0.44.dev20260713+nightly
codegen_flags: <defaults>
</compile_context>

<pallas_src>
import functools

import jax
import jax.numpy as jnp
from jax import lax
from jax.experimental import pallas as pl
from jax.experimental.pallas import tpu as pltpu
from jax.experimental.pallas import tpu_sc as plsc

N_TABLE = 100000
TOTAL = 12800000
NUM_WORKERS = 32
PER_WORKER = TOTAL // NUM_WORKERS
CHUNK = 4000
NUM_CHUNKS = PER_WORKER // CHUNK
NBUF = 3

_mesh = plsc.VectorSubcoreMesh(core_axis_name="c", subcore_axis_name="s")


@functools.partial(
    pl.kernel,
    mesh=_mesh,
    out_type=jax.ShapeDtypeStruct((TOTAL,), jnp.int32),
    scratch_types=(
        [pltpu.VMEM((N_TABLE,), jnp.int32)]
        + [pltpu.VMEM((CHUNK,), jnp.int32) for _ in range(2 * NBUF)]
        + [pltpu.SemaphoreType.DMA for _ in range(2 * NBUF + 1)]
        + [pltpu.VMEM_SHARED((N_TABLE,), jnp.int32)]
    ),
    compiler_params=pltpu.CompilerParams(needs_layout_passes=False),
)
def _gather_kernel(idx_hbm, table_hbm, out_hbm, table_v, *rest):
    idx_bufs = rest[:NBUF]
    out_bufs = rest[NBUF:2 * NBUF]
    in_sems = rest[2 * NBUF:3 * NBUF]
    out_sems = rest[3 * NBUF:4 * NBUF]
    sem_t = rest[4 * NBUF]
    spmem_t = rest[4 * NBUF + 1]
    wid = lax.axis_index("s") * 2 + lax.axis_index("c")
    base = wid * PER_WORKER

    def start_in(c, b):
        pltpu.async_copy(
            idx_hbm.at[pl.ds(base + c * CHUNK, CHUNK)], idx_bufs[b], in_sems[b])

    def wait_in(b):
        pltpu.make_async_copy(
            idx_hbm.at[pl.ds(0, CHUNK)], idx_bufs[b], in_sems[b]).wait()

    def start_out(c, b):
        pltpu.async_copy(
            out_bufs[b], out_hbm.at[pl.ds(base + c * CHUNK, CHUNK)], out_sems[b])

    def wait_out(b):
        pltpu.make_async_copy(
            out_bufs[b], out_hbm.at[pl.ds(0, CHUNK)], out_sems[b]).wait()

    def gather(b):
        idx_v = idx_bufs[b]
        out_v = out_bufs[b]

        @plsc.parallel_loop(0, CHUNK, 16, unroll=10)
        def step(si):
            iv = idx_v[pl.ds(si, 16)]
            out_v[pl.ds(si, 16)] = plsc.load_gather(table_v, [iv])

    for b in range(NBUF):
        start_in(b, b)

    sid = lax.axis_index("s")

    @pl.when(sid < 10)
    def _():
        off = sid * (N_TABLE // 10)
        pltpu.async_copy(
            table_hbm.at[pl.ds(off, N_TABLE // 10)],
            table_v.at[pl.ds(off, N_TABLE // 10)], sem_t).wait()
        pltpu.async_copy(
            table_v.at[pl.ds(off, N_TABLE // 10)],
            spmem_t.at[pl.ds(off, N_TABLE // 10)], sem_t).wait()

    plsc.subcore_barrier()
    pltpu.async_copy(spmem_t, table_v, sem_t).wait()

    def body(g, carry):
        for b in range(NBUF):
            c = NBUF * g + b
            wait_in(b)

            @pl.when(c >= NBUF)
            def _():
                wait_out(b)

            gather(b)
            start_out(c, b)

            @pl.when(c + NBUF < NUM_CHUNKS)
            def _():
                start_in(c + NBUF, b)
        return carry

    lax.fori_loop(0, NUM_CHUNKS // NBUF, body, 0)

    for r in range(NUM_CHUNKS % NBUF):
        c = (NUM_CHUNKS // NBUF) * NBUF + r
        wait_in(r)
        wait_out(r)
        gather(r)
        start_out(c, r)

    for b in range(NBUF):
        wait_out(b)


def kernel(raw_atom_index_array, inverse_real_atoms):
    flat_idx = (
        raw_atom_index_array.reshape(50000, 128, 2)
        .transpose(0, 2, 1)
        .reshape(-1)
    )
    out = _gather_kernel(flat_idx, inverse_real_atoms)
    return (
        out.reshape(50000, 2, 128)
        .transpose(0, 2, 1)
        .reshape(6400000, 2)
    )

# --- scband reference (transcript-rebuilt; emitter-appended) ---
"""Pipeline reference for scband-re-index-atom-mod-618475291108 (READ-ONLY COPY).

The authoritative reference and input builder live on the scoring server;
editing this copy changes nothing except your own understanding.
"""

import jax, jax.numpy as jnp
import numpy as np

N_NODES = 100000
N_EDGES = 6400000


def setup_inputs(seed: int = 0) -> dict:
    key = jax.random.key(seed)
    k1, k2 = jax.random.split(key)
    raw_atom_index_array = jax.random.randint(k1, (N_EDGES, 2), 0, N_NODES, dtype=jnp.int32)
    inverse_real_atoms = jax.random.randint(k2, (N_NODES,), 0, N_NODES, dtype=jnp.int32)
    return {
        "raw_atom_index_array": raw_atom_index_array,
        "inverse_real_atoms": inverse_real_atoms,
    }


def reference(raw_atom_index_array, inverse_real_atoms):
    # Faithful translation of: inverse_real_atoms[raw_atom_index_array]
    # A pure gather: rows of the 1-D remap table indexed by a large int array.
    return jnp.take(inverse_real_atoms, raw_atom_index_array, axis=0)

if __name__ == "__main__":
    import jax
    _d = setup_inputs()
    print(jax.jit(kernel)(*tuple(_d.values())))

</pallas_src>

<mosaic_0001>
#map = affine_map<(d0, d1) -> (0)>
module attributes {stable_mosaic.version = 14 : i64} {
  func.func @_gather_kernel(%arg0: i32, %arg1: i32, %arg2: memref<12800000xi32, #tpu.memory_space<hbm>>, %arg3: memref<100000xi32, #tpu.memory_space<hbm>>, %arg4: memref<12800000xi32, #tpu.memory_space<hbm>>, %arg5: memref<100000xi32, #tpu.memory_space<vmem>>, %arg6: memref<4000xi32, #tpu.memory_space<vmem>>, %arg7: memref<4000xi32, #tpu.memory_space<vmem>>, %arg8: memref<4000xi32, #tpu.memory_space<vmem>>, %arg9: memref<4000xi32, #tpu.memory_space<vmem>>, %arg10: memref<4000xi32, #tpu.memory_space<vmem>>, %arg11: memref<4000xi32, #tpu.memory_space<vmem>>, %arg12: memref<!tpu.dma_semaphore, #tpu.memory_space<semaphore_mem>>, %arg13: memref<!tpu.dma_semaphore, #tpu.memory_space<semaphore_mem>>, %arg14: memref<!tpu.dma_semaphore, #tpu.memory_space<semaphore_mem>>, %arg15: memref<!tpu.dma_semaphore, #tpu.memory_space<semaphore_mem>>, %arg16: memref<!tpu.dma_semaphore, #tpu.memory_space<semaphore_mem>>, %arg17: memref<!tpu.dma_semaphore, #tpu.memory_space<semaphore_mem>>, %arg18: memref<!tpu.dma_semaphore, #tpu.memory_space<semaphore_mem>>, %arg19: memref<100000xi32, #tpu.memory_space<vmem_shared>>) attributes {dimension_semantics = [#tpu.dimension_semantics<core_parallel>, #tpu.dimension_semantics<subcore_parallel>], iteration_bounds = array<i64: 2, 16>, scalar_prefetch = 0 : i64, scratch_operands = 15 : i64, tpu.core_type = #tpu.core_type<sc_vector_subcore>, window_params = [{transform_indices = #map}, {transform_indices = #map}, {transform_indices = #map}]} {
    %mul3A = arith.constant 2 : i32
    %mul3A_0 = arith.muli %arg1, %mul3A : i32
    %add3A = arith.addi %mul3A_0, %arg0 : i32
    %mul3A_1 = arith.constant 400000 : i32
    %mul3A_2 = arith.muli %add3A, %mul3A_1 : i32
    %add3A_3 = arith.constant 0 : i32
    %add3A_4 = arith.addi %mul3A_2, %add3A_3 : i32
    %dma_start3A = tpu.memref_slice %arg2[%add3A_4] : memref<12800000xi32, #tpu.memory_space<hbm>> -> memref<4000xi32, #tpu.memory_space<hbm>>
    %dma_start3A_5 = tpu.memref_slice %arg2[%add3A_4] : memref<12800000xi32, #tpu.memory_space<hbm>> -> memref<4000xi32, #tpu.memory_space<hbm>>
    tpu.enqueue_dma source(%dma_start3A_5 : memref<4000xi32, #tpu.memory_space<hbm>>) target(%arg6 : memref<4000xi32, #tpu.memory_space<vmem>>) target_semaphore(%arg12 : memref<!tpu.dma_semaphore, #tpu.memory_space<semaphore_mem>>)
    %add3A_6 = arith.constant 4000 : i32
    %add3A_7 = arith.addi %mul3A_2, %add3A_6 : i32
    %dma_start3A_8 = tpu.memref_slice %arg2[%add3A_7] : memref<12800000xi32, #tpu.memory_space<hbm>> -> memref<4000xi32, #tpu.memory_space<hbm>>
    %dma_start3A_9 = tpu.memref_slice %arg2[%add3A_7] : memref<12800000xi32, #tpu.memory_space<hbm>> -> memref<4000xi32, #tpu.memory_space<hbm>>
    tpu.enqueue_dma source(%dma_start3A_9 : memref<4000xi32, #tpu.memory_space<hbm>>) target(%arg7 : memref<4000xi32, #tpu.memory_space<vmem>>) target_semaphore(%arg13 : memref<!tpu.dma_semaphore, #tpu.memory_space<semaphore_mem>>)
    %add3A_10 = arith.constant 8000 : i32
    %add3A_11 = arith.addi %mul3A_2, %add3A_10 : i32
    %dma_start3A_12 = tpu.memref_slice %arg2[%add3A_11] : memref<12800000xi32, #tpu.memory_space<hbm>> -> memref<4000xi32, #tpu.memory_space<hbm>>
    %dma_start3A_13 = tpu.memref_slice %arg2[%add3A_11] : memref<12800000xi32, #tpu.memory_space<hbm>> -> memref<4000xi32, #tpu.memory_space<hbm>>
    tpu.enqueue_dma source(%dma_start3A_13 : memref<4000xi32, #tpu.memory_space<hbm>>) target(%arg8 : memref<4000xi32, #tpu.memory_space<vmem>>) target_semaphore(%arg14 : memref<!tpu.dma_semaphore, #tpu.memory_space<semaphore_mem>>)
    %lt3A = arith.constant 10 : i32
    %lt3A_14 = arith.cmpi slt, %arg1, %lt3A : i32
    %convert_element_type3A = arith.extui %lt3A_14 : i1 to i32
    %cond3A = arith.constant 0 : i32
    %cond3A_15 = arith.cmpi ne, %convert_element_type3A, %cond3A : i32
    scf.if %cond3A_15 {
      %mul3A_46 = arith.constant 10000 : i32
      %mul3A_47 = arith.muli %arg1, %mul3A_46 : i32
      %dma_start3A_48 = tpu.memref_slice %arg5[%mul3A_47] : memref<100000xi32, #tpu.memory_space<vmem>> -> memref<10000xi32, #tpu.memory_space<vmem>>
      %dma_start3A_49 = tpu.memref_slice %arg3[%mul3A_47] : memref<100000xi32, #tpu.memory_space<hbm>> -> memref<10000xi32, #tpu.memory_space<hbm>>
      %dma_start3A_50 = tpu.memref_slice %arg5[%mul3A_47] : memref<100000xi32, #tpu.memory_space<vmem>> -> memref<10000xi32, #tpu.memory_space<vmem>>
      %dma_start3A_51 = tpu.memref_slice %arg3[%mul3A_47] : memref<100000xi32, #tpu.memory_space<hbm>> -> memref<10000xi32, #tpu.memory_space<hbm>>
      tpu.enqueue_dma source(%dma_start3A_51 : memref<10000xi32, #tpu.memory_space<hbm>>) target(%dma_start3A_50 : memref<10000xi32, #tpu.memory_space<vmem>>) target_semaphore(%arg18 : memref<!tpu.dma_semaphore, #tpu.memory_space<semaphore_mem>>)
      %dma_wait3A_52 = tpu.memref_slice %arg5[%mul3A_47] : memref<100000xi32, #tpu.memory_space<vmem>> -> memref<10000xi32, #tpu.memory_space<vmem>>
      %dma_wait3A_53 = tpu.memref_slice %arg3[%mul3A_47] : memref<100000xi32, #tpu.memory_space<hbm>> -> memref<10000xi32, #tpu.memory_space<hbm>>
      %dma_wait3A_54 = tpu.memref_slice %arg5[%mul3A_47] : memref<100000xi32, #tpu.memory_space<vmem>> -> memref<10000xi32, #tpu.memory_space<vmem>>
      %dma_wait3A_55 = tpu.memref_slice %arg3[%mul3A_47] : memref<100000xi32, #tpu.memory_space<hbm>> -> memref<10000xi32, #tpu.memory_space<hbm>>
      tpu.wait_dma2 semaphore(%arg18 : memref<!tpu.dma_semaphore, #tpu.memory_space<semaphore_mem>>) src(%dma_wait3A_55 : memref<10000xi32, #tpu.memory_space<hbm>>) dst(%dma_wait3A_54 : memref<10000xi32, #tpu.memory_space<vmem>>)
      %dma_start3A_56 = tpu.memref_slice %arg5[%mul3A_47] : memref<100000xi32, #tpu.memory_space<vmem>> -> memref<10000xi32, #tpu.memory_space<vmem>>
      %dma_start3A_57 = tpu.memref_slice %arg19[%mul3A_47] : memref<100000xi32, #tpu.memory_space<vmem_shared>> -> memref<10000xi32, #tpu.memory_space<vmem_shared>>
      %dma_start3A_58 = tpu.memref_slice %arg19[%mul3A_47] : memref<100000xi32, #tpu.memory_space<vmem_shared>> -> memref<10000xi32, #tpu.memory_space<vmem_shared>>
      %dma_start3A_59 = tpu.memref_slice %arg5[%mul3A_47] : memref<100000xi32, #tpu.memory_space<vmem>> -> memref<10000xi32, #tpu.memory_space<vmem>>
      tpu.enqueue_dma source(%dma_start3A_59 : memref<10000xi32, #tpu.memory_space<vmem>>) target(%dma_start3A_58 : memref<10000xi32, #tpu.memory_space<vmem_shared>>) target_semaphore(%arg18 : memref<!tpu.dma_semaphore, #tpu.memory_space<semaphore_mem>>)
      %dma_wait3A_60 = tpu.memref_slice %arg5[%mul3A_47] : memref<100000xi32, #tpu.memory_space<vmem>> -> memref<10000xi32, #tpu.memory_space<vmem>>
      %dma_wait3A_61 = tpu.memref_slice %arg19[%mul3A_47] : memref<100000xi32, #tpu.memory_space<vmem_shared>> -> memref<10000xi32, #tpu.memory_space<vmem_shared>>
      %dma_wait3A_62 = tpu.memref_slice %arg19[%mul3A_47] : memref<100000xi32, #tpu.memory_space<vmem_shared>> -> memref<10000xi32, #tpu.memory_space<vmem_shared>>
      %dma_wait3A_63 = tpu.memref_slice %arg5[%mul3A_47] : memref<100000xi32, #tpu.memory_space<vmem>> -> memref<10000xi32, #tpu.memory_space<vmem>>
      tpu.wait_dma2 semaphore(%arg18 : memref<!tpu.dma_semaphore, #tpu.memory_space<semaphore_mem>>) src(%dma_wait3A_63 : memref<10000xi32, #tpu.memory_space<vmem>>) dst(%dma_wait3A_62 : memref<10000xi32, #tpu.memory_space<vmem_shared>>)
    } else {
    }
    %barrier3A = arith.constant 0 : index
    tpu.barrier barrier_id(%barrier3A)
    tpu.enqueue_dma source(%arg19 : memref<100000xi32, #tpu.memory_space<vmem_shared>>) target(%arg5 : memref<100000xi32, #tpu.memory_space<vmem>>) target_semaphore(%arg18 : memref<!tpu.dma_semaphore, #tpu.memory_space<semaphore_mem>>)
    tpu.wait_dma2 semaphore(%arg18 : memref<!tpu.dma_semaphore, #tpu.memory_space<semaphore_mem>>) src(%arg19 : memref<100000xi32, #tpu.memory_space<vmem_shared>>) dst(%arg5 : memref<100000xi32, #tpu.memory_space<vmem>>)
    %scan3A = arith.constant 0 : i32
    %scan3A_16 = arith.constant 0 : i32
    %scan3A_17 = arith.constant 33 : i32
    %scan3A_18 = arith.addi %scan3A_16, %scan3A_17 : i32
    %scan3A_19 = arith.constant 1 : i32
    scf.for %scan3A_46 = %scan3A_16 to %scan3A_18 step %scan3A_19  : i32 {
      %mul3A_47 = arith.constant 3 : i32
      %mul3A_48 = arith.muli %mul3A_47, %scan3A_46 : i32
      %add3A_49 = arith.constant 0 : i32
      %add3A_50 = arith.addi %mul3A_48, %add3A_49 : i32
      %dma_wait3A_51 = arith.constant 0 : i32
      %dma_wait3A_52 = tpu.memref_slice %arg2[%dma_wait3A_51] : memref<12800000xi32, #tpu.memory_space<hbm>> -> memref<4000xi32, #tpu.memory_space<hbm>>
      %dma_wait3A_53 = arith.constant 0 : i32
      %dma_wait3A_54 = tpu.memref_slice %arg2[%dma_wait3A_53] : memref<12800000xi32, #tpu.memory_space<hbm>> -> memref<4000xi32, #tpu.memory_space<hbm>>
      tpu.wait_dma2 semaphore(%arg12 : memref<!tpu.dma_semaphore, #tpu.memory_space<semaphore_mem>>) src(%dma_wait3A_54 : memref<4000xi32, #tpu.memory_space<hbm>>) dst(%arg6 : memref<4000xi32, #tpu.memory_space<vmem>>)
      %ge3A = arith.constant 3 : i32
      %ge3A_55 = arith.cmpi sge, %add3A_50, %ge3A : i32
      %convert_element_type3A_56 = arith.extui %ge3A_55 : i1 to i32
      %cond3A_57 = arith.constant 0 : i32
      %cond3A_58 = arith.cmpi ne, %convert_element_type3A_56, %cond3A_57 : i32
      scf.if %cond3A_58 {
        %dma_wait3A_130 = arith.constant 0 : i32
        %dma_wait3A_131 = tpu.memref_slice %arg4[%dma_wait3A_130] : memref<12800000xi32, #tpu.memory_space<hbm>> -> memref<4000xi32, #tpu.memory_space<hbm>>
        %dma_wait3A_132 = arith.constant 0 : i32
        %dma_wait3A_133 = tpu.memref_slice %arg4[%dma_wait3A_132] : memref<12800000xi32, #tpu.memory_space<hbm>> -> memref<4000xi32, #tpu.memory_space<hbm>>
        tpu.wait_dma2 semaphore(%arg15 : memref<!tpu.dma_semaphore, #tpu.memory_space<semaphore_mem>>) src(%arg9 : memref<4000xi32, #tpu.memory_space<vmem>>) dst(%dma_wait3A_133 : memref<4000xi32, #tpu.memory_space<hbm>>)
      } else {
      }
      %parallel_loop3A_59 = arith.constant 0 : i32
      %parallel_loop3A_60 = arith.constant 4000 : i32
      %parallel_loop3A_61 = arith.constant 16 : i32
      scf.for %parallel_loop3A_130 = %parallel_loop3A_59 to %parallel_loop3A_60 step %parallel_loop3A_61  : i32 {
        %parallel_loop3A_131 = arith.index_cast %parallel_loop3A_130 : i32 to index
        %parallel_loop3A_132 = tpu.vector_load %arg6[%parallel_loop3A_131] {strides = array<i32>} : memref<4000xi32, #tpu.memory_space<vmem>>, vector<16xi32>,
        %parallel_loop3A_133 = tpu.vector_load_idx %arg5[%parallel_loop3A_132] : memref<100000xi32, #tpu.memory_space<vmem>>[vector<16xi32>], vector<16xi32>,
        %parallel_loop3A_134 = arith.index_cast %parallel_loop3A_130 : i32 to index
        %parallel_loop3A_135 = tpu.vector_load %arg9[%parallel_loop3A_134] {strides = array<i32>} : memref<4000xi32, #tpu.memory_space<vmem>>, vector<16xi32>,
        tpu.vector_store %arg9[%parallel_loop3A_134], %parallel_loop3A_133 {strides = array<i32>} : memref<4000xi32, #tpu.memory_space<vmem>>, vector<16xi32>,
      } {sc.loop_unroll_factor = 10 : i64, sc.parallel_access}
      %mul3A_62 = arith.constant 4000 : i32
      %mul3A_63 = arith.muli %add3A_50, %mul3A_62 : i32
      %add3A_64 = arith.addi %mul3A_2, %mul3A_63 : i32
      %dma_start3A_65 = tpu.memref_slice %arg4[%add3A_64] : memref<12800000xi32, #tpu.memory_space<hbm>> -> memref<4000xi32, #tpu.memory_space<hbm>>
      %dma_start3A_66 = tpu.memref_slice %arg4[%add3A_64] : memref<12800000xi32, #tpu.memory_space<hbm>> -> memref<4000xi32, #tpu.memory_space<hbm>>
      tpu.enqueue_dma source(%arg9 : memref<4000xi32, #tpu.memory_space<vmem>>) target(%dma_start3A_66 : memref<4000xi32, #tpu.memory_space<hbm>>) target_semaphore(%arg15 : memref<!tpu.dma_semaphore, #tpu.memory_space<semaphore_mem>>)
      %add3A_67 = arith.constant 3 : i32
      %add3A_68 = arith.addi %add3A_50, %add3A_67 : i32
      %lt3A_69 = arith.constant 100 : i32
      %lt3A_70 = arith.cmpi slt, %add3A_68, %lt3A_69 : i32
      %convert_element_type3A_71 = arith.extui %lt3A_70 : i1 to i32
      %cond3A_72 = arith.constant 0 : i32
      %cond3A_73 = arith.cmpi ne, %convert_element_type3A_71, %cond3A_72 : i32
      scf.if %cond3A_73 {
        %add3A_130 = arith.constant 3 : i32
        %add3A_131 = arith.addi %add3A_50, %add3A_130 : i32
        %mul3A_132 = arith.constant 4000 : i32
        %mul3A_133 = arith.muli %add3A_131, %mul3A_132 : i32
        %add3A_134 = arith.addi %mul3A_2, %mul3A_133 : i32
        %dma_start3A_135 = tpu.memref_slice %arg2[%add3A_134] : memref<12800000xi32, #tpu.memory_space<hbm>> -> memref<4000xi32, #tpu.memory_space<hbm>>
        %dma_start3A_136 = tpu.memref_slice %arg2[%add3A_134] : memref<12800000xi32, #tpu.memory_space<hbm>> -> memref<4000xi32, #tpu.memory_space<hbm>>
        tpu.enqueue_dma source(%dma_start3A_136 : memref<4000xi32, #tpu.memory_space<hbm>>) target(%arg6 : memref<4000xi32, #tpu.memory_space<vmem>>) target_semaphore(%arg12 : memref<!tpu.dma_semaphore, #tpu.memory_space<semaphore_mem>>)
      } else {
      }
      %mul3A_74 = arith.constant 3 : i32
      %mul3A_75 = arith.muli %mul3A_74, %scan3A_46 : i32
      %add3A_76 = arith.constant 1 : i32
      %add3A_77 = arith.addi %mul3A_75, %add3A_76 : i32
      %dma_wait3A_78 = arith.constant 0 : i32
      %dma_wait3A_79 = tpu.memref_slice %arg2[%dma_wait3A_78] : memref<12800000xi32, #tpu.memory_space<hbm>> -> memref<4000xi32, #tpu.memory_space<hbm>>
      %dma_wait3A_80 = arith.constant 0 : i32
      %dma_wait3A_81 = tpu.memref_slice %arg2[%dma_wait3A_80] : memref<12800000xi32, #tpu.memory_space<hbm>> -> memref<4000xi32, #tpu.memory_space<hbm>>
      tpu.wait_dma2 semaphore(%arg13 : memref<!tpu.dma_semaphore, #tpu.memory_space<semaphore_mem>>) src(%dma_wait3A_81 : memref<4000xi32, #tpu.memory_space<hbm>>) dst(%arg7 : memref<4000xi32, #tpu.memory_space<vmem>>)
      %ge3A_82 = arith.constant 3 : i32
      %ge3A_83 = arith.cmpi sge, %add3A_77, %ge3A_82 : i32
      %convert_element_type3A_84 = arith.extui %ge3A_83 : i1 to i32
      %cond3A_85 = arith.constant 0 : i32
      %cond3A_86 = arith.cmpi ne, %convert_element_type3A_84, %cond3A_85 : i32
      scf.if %cond3A_86 {
        %dma_wait3A_130 = arith.constant 0 : i32
        %dma_wait3A_131 = tpu.memref_slice %arg4[%dma_wait3A_130] : memref<12800000xi32, #tpu.memory_space<hbm>> -> memref<4000xi32, #tpu.memory_space<hbm>>
        %dma_wait3A_132 = arith.constant 0 : i32
        %dma_wait3A_133 = tpu.memref_slice %arg4[%dma_wait3A_132] : memref<12800000xi32, #tpu.memory_space<hbm>> -> memref<4000xi32, #tpu.memory_space<hbm>>
        tpu.wait_dma2 semaphore(%arg16 : memref<!tpu.dma_semaphore, #tpu.memory_space<semaphore_mem>>) src(%arg10 : memref<4000xi32, #tpu.memory_space<vmem>>) dst(%dma_wait3A_133 : memref<4000xi32, #tpu.memory_space<hbm>>)
      } else {
      }
      %parallel_loop3A_87 = arith.constant 0 : i32
      %parallel_loop3A_88 = arith.constant 4000 : i32
      %parallel_loop3A_89 = arith.constant 16 : i32
      scf.for %parallel_loop3A_130 = %parallel_loop3A_87 to %parallel_loop3A_88 step %parallel_loop3A_89  : i32 {
        %parallel_loop3A_131 = arith.index_cast %parallel_loop3A_130 : i32 to index
        %parallel_loop3A_132 = tpu.vector_load %arg7[%parallel_loop3A_131] {strides = array<i32>} : memref<4000xi32, #tpu.memory_space<vmem>>, vector<16xi32>,
        %parallel_loop3A_133 = tpu.vector_load_idx %arg5[%parallel_loop3A_132] : memref<100000xi32, #tpu.memory_space<vmem>>[vector<16xi32>], vector<16xi32>,
        %parallel_loop3A_134 = arith.index_cast %parallel_loop3A_130 : i32 to index
        %parallel_loop3A_135 = tpu.vector_load %arg10[%parallel_loop3A_134] {strides = array<i32>} : memref<4000xi32, #tpu.memory_space<vmem>>, vector<16xi32>,
        tpu.vector_store %arg10[%parallel_loop3A_134], %parallel_loop3A_133 {strides = array<i32>} : memref<4000xi32, #tpu.memory_space<vmem>>, vector<16xi32>,
      } {sc.loop_unroll_factor = 10 : i64, sc.parallel_access}
      %mul3A_90 = arith.constant 4000 : i32
      %mul3A_91 = arith.muli %add3A_77, %mul3A_90 : i32
      %add3A_92 = arith.addi %mul3A_2, %mul3A_91 : i32
      %dma_start3A_93 = tpu.memref_slice %arg4[%add3A_92] : memref<12800000xi32, #tpu.memory_space<hbm>> -> memref<4000xi32, #tpu.memory_space<hbm>>
      %dma_start3A_94 = tpu.memref_slice %arg4[%add3A_92] : memref<12800000xi32, #tpu.memory_space<hbm>> -> memref<4000xi32, #tpu.memory_space<hbm>>
      tpu.enqueue_dma source(%arg10 : memref<4000xi32, #tpu.memory_space<vmem>>) target(%dma_start3A_94 : memref<4000xi32, #tpu.memory_space<hbm>>) target_semaphore(%arg16 : memref<!tpu.dma_semaphore, #tpu.memory_space<semaphore_mem>>)
      %add3A_95 = arith.constant 3 : i32
      %add3A_96 = arith.addi %add3A_77, %add3A_95 : i32
      %lt3A_97 = arith.constant 100 : i32
      %lt3A_98 = arith.cmpi slt, %add3A_96, %lt3A_97 : i32
      %convert_element_type3A_99 = arith.extui %lt3A_98 : i1 to i32
      %cond3A_100 = arith.constant 0 : i32
      %cond3A_101 = arith.cmpi ne, %convert_element_type3A_99, %cond3A_100 : i32
      scf.if %cond3A_101 {
        %add3A_130 = arith.constant 3 : i32
        %add3A_131 = arith.addi %add3A_77, %add3A_130 : i32
        %mul3A_132 = arith.constant 4000 : i32
        %mul3A_133 = arith.muli %add3A_131, %mul3A_132 : i32
        %add3A_134 = arith.addi %mul3A_2, %mul3A_133 : i32
        %dma_start3A_135 = tpu.memref_slice %arg2[%add3A_134] : memref<12800000xi32, #tpu.memory_space<hbm>> -> memref<4000xi32, #tpu.memory_space<hbm>>
        %dma_start3A_136 = tpu.memref_slice %arg2[%add3A_134] : memref<12800000xi32, #tpu.memory_space<hbm>> -> memref<4000xi32, #tpu.memory_space<hbm>>
        tpu.enqueue_dma source(%dma_start3A_136 : memref<4000xi32, #tpu.memory_space<hbm>>) target(%arg7 : memref<4000xi32, #tpu.memory_space<vmem>>) target_semaphore(%arg13 : memref<!tpu.dma_semaphore, #tpu.memory_space<semaphore_mem>>)
      } else {
      }
      %mul3A_102 = arith.constant 3 : i32
      %mul3A_103 = arith.muli %mul3A_102, %scan3A_46 : i32
      %add3A_104 = arith.constant 2 : i32
      %add3A_105 = arith.addi %mul3A_103, %add3A_104 : i32
      %dma_wait3A_106 = arith.constant 0 : i32
      %dma_wait3A_107 = tpu.memref_slice %arg2[%dma_wait3A_106] : memref<12800000xi32, #tpu.memory_space<hbm>> -> memref<4000xi32, #tpu.memory_space<hbm>>
      %dma_wait3A_108 = arith.constant 0 : i32
      %dma_wait3A_109 = tpu.memref_slice %arg2[%dma_wait3A_108] : memref<12800000xi32, #tpu.memory_space<hbm>> -> memref<4000xi32, #tpu.memory_space<hbm>>
      tpu.wait_dma2 semaphore(%arg14 : memref<!tpu.dma_semaphore, #tpu.memory_space<semaphore_mem>>) src(%dma_wait3A_109 : memref<4000xi32, #tpu.memory_space<hbm>>) dst(%arg8 : memref<4000xi32, #tpu.memory_space<vmem>>)
      %ge3A_110 = arith.constant 3 : i32
      %ge3A_111 = arith.cmpi sge, %add3A_105, %ge3A_110 : i32
      %convert_element_type3A_112 = arith.extui %ge3A_111 : i1 to i32
      %cond3A_113 = arith.constant 0 : i32
      %cond3A_114 = arith.cmpi ne, %convert_element_type3A_112, %cond3A_113 : i32
      scf.if %cond3A_114 {
        %dma_wait3A_130 = arith.constant 0 : i32
        %dma_wait3A_131 = tpu.memref_slice %arg4[%dma_wait3A_130] : memref<12800000xi32, #tpu.memory_space<hbm>> -> memref<4000xi32, #tpu.memory_space<hbm>>
        %dma_wait3A_132 = arith.constant 0 : i32
        %dma_wait3A_133 = tpu.memref_slice %arg4[%dma_wait3A_132] : memref<12800000xi32, #tpu.memory_space<hbm>> -> memref<4000xi32, #tpu.memory_space<hbm>>
        tpu.wait_dma2 semaphore(%arg17 : memref<!tpu.dma_semaphore, #tpu.memory_space<semaphore_mem>>) src(%arg11 : memref<4000xi32, #tpu.memory_space<vmem>>) dst(%dma_wait3A_133 : memref<4000xi32, #tpu.memory_space<hbm>>)
      } else {
      }
      %parallel_loop3A_115 = arith.constant 0 : i32
      %parallel_loop3A_116 = arith.constant 4000 : i32
      %parallel_loop3A_117 = arith.constant 16 : i32
      scf.for %parallel_loop3A_130 = %parallel_loop3A_115 to %parallel_loop3A_116 step %parallel_loop3A_117  : i32 {
        %parallel_loop3A_131 = arith.index_cast %parallel_loop3A_130 : i32 to index
        %parallel_loop3A_132 = tpu.vector_load %arg8[%parallel_loop3A_131] {strides = array<i32>} : memref<4000xi32, #tpu.memory_space<vmem>>, vector<16xi32>,
        %parallel_loop3A_133 = tpu.vector_load_idx %arg5[%parallel_loop3A_132] : memref<100000xi32, #tpu.memory_space<vmem>>[vector<16xi32>], vector<16xi32>,
        %parallel_loop3A_134 = arith.index_cast %parallel_loop3A_130 : i32 to index
        %parallel_loop3A_135 = tpu.vector_load %arg11[%parallel_loop3A_134] {strides = array<i32>} : memref<4000xi32, #tpu.memory_space<vmem>>, vector<16xi32>,
        tpu.vector_store %arg11[%parallel_loop3A_134], %parallel_loop3A_133 {strides = array<i32>} : memref<4000xi32, #tpu.memory_space<vmem>>, vector<16xi32>,
      } {sc.loop_unroll_factor = 10 : i64, sc.parallel_access}
      %mul3A_118 = arith.constant 4000 : i32
      %mul3A_119 = arith.muli %add3A_105, %mul3A_118 : i32
      %add3A_120 = arith.addi %mul3A_2, %mul3A_119 : i32
      %dma_start3A_121 = tpu.memref_slice %arg4[%add3A_120] : memref<12800000xi32, #tpu.memory_space<hbm>> -> memref<4000xi32, #tpu.memory_space<hbm>>
      %dma_start3A_122 = tpu.memref_slice %arg4[%add3A_120] : memref<12800000xi32, #tpu.memory_space<hbm>> -> memref<4000xi32, #tpu.memory_space<hbm>>
      tpu.enqueue_dma source(%arg11 : memref<4000xi32, #tpu.memory_space<vmem>>) target(%dma_start3A_122 : memref<4000xi32, #tpu.memory_space<hbm>>) target_semaphore(%arg17 : memref<!tpu.dma_semaphore, #tpu.memory_space<semaphore_mem>>)
      %add3A_123 = arith.constant 3 : i32
      %add3A_124 = arith.addi %add3A_105, %add3A_123 : i32
      %lt3A_125 = arith.constant 100 : i32
      %lt3A_126 = arith.cmpi slt, %add3A_124, %lt3A_125 : i32
      %convert_element_type3A_127 = arith.extui %lt3A_126 : i1 to i32
      %cond3A_128 = arith.constant 0 : i32
      %cond3A_129 = arith.cmpi ne, %convert_element_type3A_127, %cond3A_128 : i32
      scf.if %cond3A_129 {
        %add3A_130 = arith.constant 3 : i32
        %add3A_131 = arith.addi %add3A_105, %add3A_130 : i32
        %mul3A_132 = arith.constant 4000 : i32
        %mul3A_133 = arith.muli %add3A_131, %mul3A_132 : i32
        %add3A_134 = arith.addi %mul3A_2, %mul3A_133 : i32
        %dma_start3A_135 = tpu.memref_slice %arg2[%add3A_134] : memref<12800000xi32, #tpu.memory_space<hbm>> -> memref<4000xi32, #tpu.memory_space<hbm>>
        %dma_start3A_136 = tpu.memref_slice %arg2[%add3A_134] : memref<12800000xi32, #tpu.memory_space<hbm>> -> memref<4000xi32, #tpu.memory_space<hbm>>
        tpu.enqueue_dma source(%dma_start3A_136 : memref<4000xi32, #tpu.memory_space<hbm>>) target(%arg8 : memref<4000xi32, #tpu.memory_space<vmem>>) target_semaphore(%arg14 : memref<!tpu.dma_semaphore, #tpu.memory_space<semaphore_mem>>)
      } else {
      }
    }
    %scan3A_20 = arith.constant 33 : i32
    %dma_wait3A = arith.constant 0 : i32
    %dma_wait3A_21 = tpu.memref_slice %arg2[%dma_wait3A] : memref<12800000xi32, #tpu.memory_space<hbm>> -> memref<4000xi32, #tpu.memory_space<hbm>>
    %dma_wait3A_22 = arith.constant 0 : i32
    %dma_wait3A_23 = tpu.memref_slice %arg2[%dma_wait3A_22] : memref<12800000xi32, #tpu.memory_space<hbm>> -> memref<4000xi32, #tpu.memory_space<hbm>>
    tpu.wait_dma2 semaphore(%arg12 : memref<!tpu.dma_semaphore, #tpu.memory_space<semaphore_mem>>) src(%dma_wait3A_23 : memref<4000xi32, #tpu.memory_space<hbm>>) dst(%arg6 : memref<4000xi32, #tpu.memory_space<vmem>>)
    %dma_wait3A_24 = arith.constant 0 : i32
    %dma_wait3A_25 = tpu.memref_slice %arg4[%dma_wait3A_24] : memref<12800000xi32, #tpu.memory_space<hbm>> -> memref<4000xi32, #tpu.memory_space<hbm>>
    %dma_wait3A_26 = arith.constant 0 : i32
    %dma_wait3A_27 = tpu.memref_slice %arg4[%dma_wait3A_26] : memref<12800000xi32, #tpu.memory_space<hbm>> -> memref<4000xi32, #tpu.memory_space<hbm>>
    tpu.wait_dma2 semaphore(%arg15 : memref<!tpu.dma_semaphore, #tpu.memory_space<semaphore_mem>>) src(%arg9 : memref<4000xi32, #tpu.memory_space<vmem>>) dst(%dma_wait3A_27 : memref<4000xi32, #tpu.memory_space<hbm>>)
    %parallel_loop3A = arith.constant 0 : i32
    %parallel_loop3A_28 = arith.constant 4000 : i32
    %parallel_loop3A_29 = arith.constant 16 : i32
    scf.for %parallel_loop3A_46 = %parallel_loop3A to %parallel_loop3A_28 step %parallel_loop3A_29  : i32 {
      %parallel_loop3A_47 = arith.index_cast %parallel_loop3A_46 : i32 to index
      %parallel_loop3A_48 = tpu.vector_load %arg6[%parallel_loop3A_47] {strides = array<i32>} : memref<4000xi32, #tpu.memory_space<vmem>>, vector<16xi32>,
      %parallel_loop3A_49 = tpu.vector_load_idx %arg5[%parallel_loop3A_48] : memref<100000xi32, #tpu.memory_space<vmem>>[vector<16xi32>], vector<16xi32>,
      %parallel_loop3A_50 = arith.index_cast %parallel_loop3A_46 : i32 to index
      %parallel_loop3A_51 = tpu.vector_load %arg9[%parallel_loop3A_50] {strides = array<i32>} : memref<4000xi32, #tpu.memory_space<vmem>>, vector<16xi32>,
      tpu.vector_store %arg9[%parallel_loop3A_50], %parallel_loop3A_49 {strides = array<i32>} : memref<4000xi32, #tpu.memory_space<vmem>>, vector<16xi32>,
    } {sc.loop_unroll_factor = 10 : i64, sc.parallel_access}
    %add3A_30 = arith.constant 396000 : i32
    %add3A_31 = arith.addi %mul3A_2, %add3A_30 : i32
    %dma_start3A_32 = tpu.memref_slice %arg4[%add3A_31] : memref<12800000xi32, #tpu.memory_space<hbm>> -> memref<4000xi32, #tpu.memory_space<hbm>>
    %dma_start3A_33 = tpu.memref_slice %arg4[%add3A_31] : memref<12800000xi32, #tpu.memory_space<hbm>> -> memref<4000xi32, #tpu.memory_space<hbm>>
    tpu.enqueue_dma source(%arg9 : memref<4000xi32, #tpu.memory_space<vmem>>) target(%dma_start3A_33 : memref<4000xi32, #tpu.memory_space<hbm>>) target_semaphore(%arg15 : memref<!tpu.dma_semaphore, #tpu.memory_space<semaphore_mem>>)
    %dma_wait3A_34 = arith.constant 0 : i32
    %dma_wait3A_35 = tpu.memref_slice %arg4[%dma_wait3A_34] : memref<12800000xi32, #tpu.memory_space<hbm>> -> memref<4000xi32, #tpu.memory_space<hbm>>
    %dma_wait3A_36 = arith.constant 0 : i32
    %dma_wait3A_37 = tpu.memref_slice %arg4[%dma_wait3A_36] : memref<12800000xi32, #tpu.memory_space<hbm>> -> memref<4000xi32, #tpu.memory_space<hbm>>
    tpu.wait_dma2 semaphore(%arg15 : memref<!tpu.dma_semaphore, #tpu.memory_space<semaphore_mem>>) src(%arg9 : memref<4000xi32, #tpu.memory_space<vmem>>) dst(%dma_wait3A_37 : memref<4000xi32, #tpu.memory_space<hbm>>)
    %dma_wait3A_38 = arith.constant 0 : i32
    %dma_wait3A_39 = tpu.memref_slice %arg4[%dma_wait3A_38] : memref<12800000xi32, #tpu.memory_space<hbm>> -> memref<4000xi32, #tpu.memory_space<hbm>>
    %dma_wait3A_40 = arith.constant 0 : i32
    %dma_wait3A_41 = tpu.memref_slice %arg4[%dma_wait3A_40] : memref<12800000xi32, #tpu.memory_space<hbm>> -> memref<4000xi32, #tpu.memory_space<hbm>>
    tpu.wait_dma2 semaphore(%arg16 : memref<!tpu.dma_semaphore, #tpu.memory_space<semaphore_mem>>) src(%arg10 : memref<4000xi32, #tpu.memory_space<vmem>>) dst(%dma_wait3A_41 : memref<4000xi32, #tpu.memory_space<hbm>>)
    %dma_wait3A_42 = arith.constant 0 : i32
    %dma_wait3A_43 = tpu.memref_slice %arg4[%dma_wait3A_42] : memref<12800000xi32, #tpu.memory_space<hbm>> -> memref<4000xi32, #tpu.memory_space<hbm>>
    %dma_wait3A_44 = arith.constant 0 : i32
    %dma_wait3A_45 = tpu.memref_slice %arg4[%dma_wait3A_44] : memref<12800000xi32, #tpu.memory_space<hbm>> -> memref<4000xi32, #tpu.memory_space<hbm>>
    tpu.wait_dma2 semaphore(%arg17 : memref<!tpu.dma_semaphore, #tpu.memory_space<semaphore_mem>>) src(%arg11 : memref<4000xi32, #tpu.memory_space<vmem>>) dst(%dma_wait3A_45 : memref<4000xi32, #tpu.memory_space<hbm>>)
    return
  }
}

</mosaic_0001>

<sc_bundles>
// kernel: kernel.3.cloned.1.call-start
scs
__scs_entry_jumppad:
0x0: {  	(pc) =	sbr.rel $0x88, $3  }
0x1: {  	(tag) =	ssettag $0x0;
	lr =	simm.s32 $0x1  }
0x2: {  	[smem:$0x3F9F] =	sst lr;
	_ =	strace $0xD0000000  }
0x3: {  	_ = 	snop  }
0x4: {  	_ = 	snop  }
0x5: {  	_ = 	snop  }
0x6: {  	_ = 	snop  }
0x7: {  	_ = 	snop  }
__scs_overlays_trampoline_lowered:
0x8: {  	[smem:$0x3FAE] =	sst s0  }
0x9: {  	[smem:$0x3FAF] =	sst s1  }
0xa: {  	[smem:$0x3FB0] =	sst s2  }
0xb: {  	[smem:$0x3FB1] =	sst s3  }
0xc: {  	[smem:$0x3FB2] =	sst s4  }
0xd: {  	[smem:$0x3FB3] =	sst s5  }
0xe: {  	[smem:$0x3FB4] =	sst s6  }
0xf: {  	[smem:$0x3FB5] =	sst s7  }
0x10: {  	[smem:$0x3FB6] =	sst s8  }
0x11: {  	[smem:$0x3FB7] =	sst s9;
	s0 =	simm.s32 @!p0 $0x0  }
0x12: {  	s1 =	sld [smem:$0x3F9D];
	s0 =	simm.s32 @p0 $0x1  }
0x13: {  	[smem:$0x3FB8] =	sst s0;
	s0 =	simm.s32 @!p1 $0x0  }
0x14: {  	s2 =	sld [smem:$0x3F9C];
	s0 =	simm.s32 @p1 $0x1  }
0x15: {  	[smem:$0x3FB9] =	sst s0;
	s0 =	simm.s32 @!p2 $0x0  }
0x16: {  	s3 =	sld [smem:$0x3FDB];
	s0 =	simm.s32 @p2 $0x1  }
0x17: {  	s4 =	simm.s32 $0x1BF5;
	[smem:$0x3FBB] =	sst s0  }
0x18: {  	s0 =	sld [smem:$0x3F9E];
	_ =	swait.ge [sflag:s4], $0x0  }
0x19: {  	s7 =	sld [smem:$0x3F9F]  }
0x1a: {  	s8 =	sadd.s32 $0xFFFFE003, lr  }
0x1b: {  	s9 =	sadd.s32 $0xFFFFFEF7, lr;
	s5 =	simm.s32 $0xFFFFFFFF;
	p2 =	slt.u32 s8, $0xFFFFF086  }
0x1c: {  	p1 =	slt.u32 s9, $0xF7A;
	s5 =	simm.s32 @!p2 $0x0  }
0x1d: {  	s5 =	simm.s32 @p1 $0x1;
	p0 =	seq.s32 s7, s2  }
0x1e: {  	s7 =	smul.u32 @!p0 $0xF7A, s2;
	p2 =	seq.s32 @!p0 s5, $0x0  }
0x1f: {  	s9 =	smul.u32 $0xF7A, s1;
	s8 =	simm.s32 @!p0 $0x1BF5;
	p2 =	por !p2, p0  }
0x20: {  	[sflag:s8] =	ssyncset.s32 @!p0 $0xFFFFF086;
	s6 =	sadd.s32 @!p0 s3, s7;
	s7 =	simm.s32 @!p0 $0x108  }
0x21: {  	s3 =	sadd.s32 s3, s9;
	s6 =	sadd.s32 @!p0 $0x88, s6;
	s7 =	simm.s32 @p2 $0x1082  }
0x22: {  	[simem:s7], [sflag:s8] =	dma.local @!p0 [hbm:s6], $0xF7A  }
0x23: {  	s9 =	sor.u32 $0xD0000000, s2;
	s6 =	simm.s32 $0x108;
	_ =	swait.ge @!p0 [sflag:s8], $0x0  }
0x24: {  	s3 =	sadd.s32 $0x88, s3;
	s6 =	simm.s32 @!p1 $0x1082;
	[sflag:s4] =	ssyncset.s32 $0xFFFFF086  }
0x25: {  	[simem:s6], [sflag:s4] =	dma.local [hbm:s3], $0xF7A  }
0x26: {  	[smem:$0x3F9F] =	sst s1;
	(tag) =	ssettag s2;
	_ =	strace s9  }
0x27: {  	s1 =	sld [smem:$0x3FAF]  }
0x28: {  	s2 =	sld [smem:$0x3FB0]  }
0x29: {  	s4 =	sld [smem:$0x3FB2]  }
0x2a: {  	p0 =	seq.s32 s5, $0x0;
	s5 =	sld [smem:$0x3FB3]  }
0x2b: {  	s6 =	sld [smem:$0x3FB4]  }
0x2c: {  	s7 =	sld [smem:$0x3FB5]  }
0x2d: {  	s3 =	simm.s32 $0x108;
	s8 =	sld [smem:$0x3FB6]  }
0x2e: {  	s3 =	simm.s32 @!p0 $0x1082;
	s9 =	sld [smem:$0x3FB7]  }
0x2f: {  	lr =	sadd.s32 s0, s3;
	s0 =	sld [smem:$0x3FAE]  }
0x30: {  	s3 =	sld [smem:$0x3FB1]  }
0x31: {  	[smem:$0x3FBA] =	sst s10  }
0x32: {  	s10 =	sld [smem:$0x3FB8];
	_ =	sdelay $0x3  }
0x33: {  	p0 =	seq.s32 s10, $0x1;
	s10 =	sld [smem:$0x3FBA];
	_ =	sdelay $0x3  }
0x34: {  	[smem:$0x3FBA] =	sst s10  }
0x35: {  	s10 =	sld [smem:$0x3FB9];
	_ =	sdelay $0x3  }
0x36: {  	p1 =	seq.s32 s10, $0x1;
	s10 =	sld [smem:$0x3FBA];
	_ =	sdelay $0x3  }
0x37: {  	[smem:$0x3FBA] =	sst s10  }
0x38: {  	s10 =	sld [smem:$0x3FBB]  }
0x39: {  	_ = 	snop;
	(pc) =	sbr.ind lr, $3  }
0x3a: {  	_ = 	snop  }
0x3b: {  	_ = 	snop  }
0x3c: {  	p2 =	seq.s32 s10, $0x1;
	s10 =	sld [smem:$0x3FBA]  }
0x3d: {  	_ =	shalt  }
0x3e: {  	_ =	shalt  }
0x3f: {  	_ =	shalt  }
0x40: {  	_ =	shalt  }
0x41: {  	_ =	shalt  }
0x42: {  	_ =	shalt  }
0x43: {  	_ =	shalt  }
0x44: {  	_ =	shalt  }
0x45: {  	_ =	shalt  }
0x46: {  	_ =	shalt  }
0x47: {  	_ =	shalt  }
0x48: {  	_ =	shalt  }
0x49: {  	_ =	shalt  }
0x4a: {  	_ =	shalt  }
0x4b: {  	_ =	shalt  }
0x4c: {  	_ =	shalt  }
0x4d: {  	_ =	shalt  }
0x4e: {  	_ =	shalt  }
0x4f: {  	_ =	shalt  }
0x50: {  	_ =	shalt  }
0x51: {  	_ =	shalt  }
0x52: {  	_ =	shalt  }
0x53: {  	_ =	shalt  }
0x54: {  	_ =	shalt  }
0x55: {  	_ =	shalt  }
0x56: {  	_ =	shalt  }
0x57: {  	_ =	shalt  }
0x58: {  	_ =	shalt  }
0x59: {  	_ =	shalt  }
0x5a: {  	_ =	shalt  }
0x5b: {  	_ =	shalt  }
0x5c: {  	_ =	shalt  }
0x5d: {  	_ =	shalt  }
0x5e: {  	_ =	shalt  }
0x5f: {  	_ =	shalt  }
0x60: {  	_ =	shalt  }
0x61: {  	_ =	shalt  }
0x62: {  	_ =	shalt  }
0x63: {  	_ =	shalt  }
0x64: {  	_ =	shalt  }
0x65: {  	_ =	shalt  }
0x66: {  	_ =	shalt  }
0x67: {  	_ =	shalt  }
0x68: {  	_ =	shalt  }
0x69: {  	_ =	shalt  }
0x6a: {  	_ =	shalt  }
0x6b: {  	_ =	shalt  }
0x6c: {  	_ =	shalt  }
0x6d: {  	_ =	shalt  }
0x6e: {  	_ =	shalt  }
0x6f: {  	_ =	shalt  }
0x70: {  	_ =	shalt  }
0x71: {  	_ =	shalt  }
0x72: {  	_ =	shalt  }
0x73: {  	_ =	shalt  }
0x74: {  	_ =	shalt  }
0x75: {  	_ =	shalt  }
0x76: {  	_ =	shalt  }
0x77: {  	_ =	shalt  }
0x78: {  	_ =	shalt  }
0x79: {  	_ =	shalt  }
0x7a: {  	_ =	shalt  }
0x7b: {  	_ =	shalt  }
0x7c: {  	_ =	shalt  }
0x7d: {  	_ =	shalt  }
0x7e: {  	_ =	shalt  }
0x7f: {  	_ =	shalt  }
0x80: {  	_ =	shalt  }
0x81: {  	_ =	shalt  }
0x82: {  	_ =	shalt  }
0x83: {  	_ =	shalt  }
0x84: {  	_ =	shalt  }
0x85: {  	_ =	shalt  }
0x86: {  	_ =	shalt  }
0x87: {  	_ =	shalt  }
.Lfunc_end0:
.L_simem_size_0:
called_computation_lowered:
.L_overlay_start_0:
0x88: {  	s2 =	sld [smem:$0x3FD9]  }
0x89: {  	s3 =	sld [smem:$0x3FFE];
	_ =	sdelay $0x1  }
0x8a: {  	s1 =	srdreg.scid  }
0x8b: {  	s0 =	sand.u32 $0x1, s1  }
0x8c: {  	s18 =	sshll.u32 s0, $0xA;
	s2 =	sadd.s32 s3, s2  }
0x8d: {  	s2 =	sadd.s32 s2, s18  }
0x8e: {  	[smem:$0x3FC6] =	sst s2  }
0x8f: {  	_ = 	snop  }
0x90: {  	s2 =	sld [smem:$0x3FC9]  }
0x91: {  	s19 =	sld [smem:$0x3FC8]  }
0x92: {  	s4 =	sld [smem:$0x3FD0];
	(tm) =	ssettm $0x1  }
0x93: {  	s5 =	sld [smem:$0x3FFB];
	_ =	sdelay $0x3  }
0x94: {  	_ =	strace s5  }
0x95: {  	s5 =	sld [smem:$0x3FFC];
	_ =	sdelay $0x3  }
0x96: {  	_ =	strace s5  }
0x97: {  	s5 =	sld [smem:$0x3FFD];
	_ =	sdelay $0x3  }
0x98: {  	_ =	strace s5  }
0x99: {  	_ =	strace $0x8FFFFFFF  }
0x9a: {  	s20 =	sld [smem:$0x3FDB];
	_ =	sdelay $0x1  }
0x9b: {  	s6 =	simm.s32 $_scs_section_size  }
0x9c: {  	s7 =	simm.s32 $_size__tile_overlayer_lowered;
	s8 =	simm.s32 $_tile_overlayer_lowered  }
0x9d: {  	s23 =	simm.s32 $0x1BFF;
	s22 =	sshll.u32 s8, $0x1;
	s5 =	sadd.s32 s6, s20  }
0x9e: {  	s9 =	simm.s32 $0x0;
	s21 =	sshll.u32 s7, $0x1;
	s7 =	sadd.s32 s22, s5  }
0x9f: {  	[timem:s9], [sflag:s23] =	dma.local [hbm:s7], s21  }
0xa0: {  	_ =	swait.ge [sflag:s23], s21  }
0xa1: {  	s6 =	ssub.s32 $0x0, s21;
	[sflag:s23] =	ssyncset.done $0x0  }
0xa2: {  	[sflag:s23] =	ssyncadd.s32 s6;
	_ =	sdelay $0x1  }
0xa3: {  	s24 =	simm.s32 $0x1B8B  }
0xa4: {  	_ =	swait.ge [sflag:s24], $0x1  }
0xa5: {  	[sflag:s24] =	ssyncset.done $0x0  }
0xa6: {  	s25 =	simm.s32 $0x1B8E;
	[sflag:s24] =	ssyncadd.s32 $0xFFFFFFFF  }
0xa7: {  	s26 =	simm.s32 $execute0_lowered;
	[smem:$0x3FD2] =	sst s25  }
0xa8: {  	s6 =	sshll.u32 s26, $0x1;
	_ =	strace $0x80000046;
	[dreg:$0x1] =	wrdreg $0xFFFFFFFF  }
0xa9: {  	s28 =	simm.s32 $_size_execute0_lowered;
	s5 =	sadd.s32 s5, s6;
	[dreg:$0x0] =	wrdreg $0x0  }
0xaa: {  	s6 =	sshll.u32 s28, $0x1;
	[dreg:$0x2] =	wrdreg s5  }
0xab: {  	[dreg:$0x3] =	wrdreg s6  }
0xac: {  	[dreg:$0x4] =	wrdreg $0xC0  }
0xad: {  	_ =	task [dreg:s9], $0x5FFFF  }
0xae: {  	[dreg:$0x1] =	wrdreg $0xFFFFFFFF  }
0xaf: {  	[dreg:$0x0] =	wrdreg $0x60  }
0xb0: {  	[dreg:$0x2] =	wrdreg s2  }
0xb1: {  	[dreg:$0x3] =	wrdreg s19  }
0xb2: {  	[dreg:$0x4] =	wrdreg s4  }
0xb3: {  	[dreg:$0x5] =	wrdreg $0x1E7000  }
0xb4: {  	[dreg:$0x6] =	wrdreg $0x9  }
0xb5: {  	_ =	task.clear_ibuf [dreg:s9], $0x7FFFF;
	_ =	strace $0x90000046  }
0xb6: {  	s29 =	simm.s32 $0x9;
	_ =	strace $0x80000048  }
0xb7: {  	_ =	swait.ge [sflag:s29], $0x1  }
0xb8: {  	[sflag:s29] =	ssyncadd.s32 $0xFFFFFFFF  }
0xb9: {  	_ =	strace $0x90000048  }
0xba: {  	_ =	sfence  }
0xbb: {  	s30 =	sld [smem:$0x0];
	_ =	sdelay $0x2  }
0xbc: {  	s31 =	sshll.u32 s1, $0xD;
	s1 =	sshrl.u32 s1, $0x2  }
0xbd: {  	s3 =	sand.u32 $0x4000, s31;
	s1 =	sadd.s32 s1, s30  }
0xbe: {  	s0 =	sor.u32 s3, s0;
	s1 =	sshll.u32 s1, $0x11  }
0xbf: {  	s0 =	sor.u32 s1, s0  }
0xc0: {  	s0 =	sadd.s32 $0x8F2B, s0  }
0xc1: {  	[sflag:s0] =	ssyncadd.remote.s32 $0x1  }
0xc2: {  	_ =	sfence.sel $0xFFFF  }
0xc3: {  	[dreg:$0x0] =	wrdreg $0xFFFFFFFF;
	(pc) =	sbr.abs _section_cstart, $3  }
0xc4: {  	[dreg:$0x1] =	wrdreg $0xFFFFFFFF  }
0xc5: {  	_ =	task.clear_ibuf [dreg:s9], $0x2FFFF;
	_ =	strace $0x9FFFFFFF  }
0xc6: {  	(tm) =	ssettm $0x7FFFFFFF  }
0xc7: {  	_ =	shalt  }
tec
execute0_lowered:
.L_overlay_start_1:
0x0: {  	(tag) =	ssettag $0x1  }
0x1: {  	s1 =	rddreg [dreg:$0x0]  }
0x2: {  	s0 =	rddreg [dreg:$0x1]  }
0x3: {  	s3 =	rddreg [dreg:$0x2]  }
0x4: {  	s13 =	rddreg [dreg:$0x3];
	s2 =	srdreg.scid  }
0x5: {  	s12 =	stileid.u32;
	s5 =	simm.s32 $0x0;
	s28 =	simm.s32 $0x1C700  }
0x6: {  	s29 =	simm.s32 $0x3;
	s30 =	simm.s32 $0x6;
	s31 =	simm.s32 $0x1D700  }
0x7: {  	s2 =	sand.u32 $0x1, s2;
	s4 =	sshll.u32 s12, $0x1;
	[smem:$0x7FF] =	sst s5  }
0x8: {  	s8 =	smul.u32 $0x2710, s12;
	p0 =	sgt.u32 s12, $0x9;
	s7 =	ssub.s32 $0x2, s2  }
0x9: {  	s2 =	sor.u32 s2, s4;
	_ =	strace $0x80000047;
	s4 =	simm.s32 $0x0  }
0xa: {  	s19 =	sshrl.u32 s7, $0x1;
	s6 =	smul.u32 $0x61A80, s2;
	s11 =	sshrl.u32 s8, $0x3  }
0xb: {  	s24 =	sadd.s32 s8, s13;
	s2 =	simm.s32 $0x5;
	s20 =	ssub.s32 s7, s19  }
0xc: {  	s0 =	sadd.s32 s0, s11;
	[dreg:$0x9] =	wrdreg s24;
	s24 =	simm.s32 $0x1  }
0xd: {  	s21 =	sshrl.u32 s6, $0x3;
	s7 =	sadd.s32 $0xFA0, s6;
	s10 =	sadd.s32 $0x1F40, s6  }
0xe: {  	[dreg:$0x8] =	wrdreg s0;
	s15 =	sadd.s32 $0x2EE0, s6;
	s16 =	sadd.s32 $0x3E80, s6  }
0xf: {  	s17 =	sadd.s32 $0x4E20, s6;
	s26 =	smax.u32 s20, $0x1;
	s20 =	simm.s32 $0x18700  }
0x10: {  	s9 =	sadd.s32 s1, s21;
	s22 =	sshrl.u32 s7, $0x3;
	s23 =	sshrl.u32 s10, $0x3  }
0x11: {  	s25 =	sadd.s32 s3, s21;
	[dreg:$0xb] =	wrdreg s26;
	s21 =	simm.s32 $0x19700  }
0x12: {  	s26 =	simm.s32 $0x2;
	[dreg:$0x5] =	wrdreg s9;
	s9 =	sadd.s32 s1, s22  }
0x13: {  	s0 =	sadd.s32 $0xC15C, s25;
	s22 =	simm.s32 $0x1A700;
	[dreg:$0x6] =	wrdreg s9  }
0x14: {  	s25 =	simm.s32 $0x1B700;
	s9 =	sadd.s32 s1, s23;
	[dreg:$0xa] =	wrdreg s0  }
0x15: {  	s23 =	simm.s32 $0x7;
	s0 =	simm.s32 $0x4;
	[dreg:$0x7] =	wrdreg s9  }
.LBB2_1:
0x16: {  	s9 =	rddreg [dreg:$0x5]  }
0x17: {  	[tilespmem:s20], [sflag:$0x1] =	stream.linear.gather [hbm4b:s9+s5], $0xFA0, $0x38;
	[tilespmem:$0x1FF70] =	vst v63  }
0x18: {  	s14 =	rddreg [dreg:$0x6]  }
0x19: {  	[tilespmem:s21], [sflag:$0x2] =	stream.linear.gather [hbm4b:s14+s5], $0xFA0, $0x38;
	[tilespmem:$0x1FF70] =	vst v63  }
0x1a: {  	s18 =	rddreg [dreg:$0x7]  }
0x1b: {  	[tilespmem:s22], [sflag:$0x3] =	stream.linear.gather [hbm4b:s18+s5], $0xFA0, $0x38;
	[tilespmem:$0x1FF70] =	vst v63  }
0x1c: {  	s11 =	rddreg [dreg:$0x8];
	s9 =	simm.s32 @!p0 $0x0  }
0x1d: {  	[tilespmem:s8], [sflag:$0x7] =	stream.linear.gather @!p0 [hbm4b:s11+s9], $0x2710, $0x38;
	[tilespmem:$0x1FF70] =	vst v63  }
0x1e: {  	s9 =	simm.s32 @!p0 $0x7  }
0x1f: {  	_ =	swait.ge @!p0 [sflag:s9], $0x2710  }
0x20: {  	[sflag:s9] =	ssyncset.done @!p0 $0x0  }
0x21: {  	s11 =	rddreg [dreg:$0x9];
	[sflag:s9] =	ssyncadd.s32 @!p0 $0xFFFFD8F0  }
0x22: {  	[spmem:s11] =	stream.linear.scatter @!p0 [tilespmem:s8], [sflag:$0x7], $0x2710, $0x38;
	[tilespmem:$0x1FF70] =	vst v63  }
0x23: {  	_ =	swait.ge @!p0 [sflag:s9], $0x2710  }
0x24: {  	[sflag:s9] =	ssyncset.done @!p0 $0x0  }
0x25: {  	[sflag:s9] =	ssyncadd.s32 @!p0 $0xFFFFD8F0  }
0x26: {  	[bflag:$0x0] =	sbarrier.arrive $0xFFFF  }
0x27: {  	s19 =	rddreg [dreg:$0x3]  }
0x28: {  	[tilespmem:s5], [sflag:$0x7] =	stream.linear.gather [spmem:s19], $0x18700, $0x38;
	[tilespmem:$0x1FF70] =	vst v63  }
0x29: {  	_ =	swait.ge [sflag:s23], $0x18700  }
0x2a: {  	[sflag:s23] =	ssyncset.done $0x0  }
0x2b: {  	s9 =	simm.s32 $0x0;
	[sflag:s23] =	ssyncadd.s32 $0xFFFE7900  }
.LBB2_2:
0x2c: {  	_ =	swait.ge [sflag:s24], $0xFA0  }
0x2d: {  	p1 =	seq.s32 s9, $0x0;
	[sflag:s24] =	ssyncset.done $0x0  }
0x2e: {  	s11 =	simm.s32 @!p1 $0x4;
	[sflag:s24] =	ssyncadd.s32 $0xFFFFF060  }
0x2f: {  	_ =	swait.ge @!p1 [sflag:s11], $0xFA0  }
0x30: {  	s12 =	simm.s32 $0x0;
	[sflag:s11] =	ssyncset.done @!p1 $0x0  }
0x31: {  	s18 =	sand.u32 $0xFE0, s12;
	[sflag:s11] =	ssyncadd.s32 @!p1 $0xFFFFF060  }
0x32: {  	v1 =	vld [tilespmem:s18+$0x18780];
	_ =	sdelay $0x2  }
0x33: {  	s14 =	simm.s32 $0xA0  }
0x34: {  	s11 =	sand.u32 $0xFE0, s14  }
0x35: {  	s13 =	simm.s32 $0x18750;
	v0 =	vld [tilespmem:s11+$0x18780]  }
0x36: {  	v2 =	vld [tilespmem:s13+$0xFFFFFFB0]  }
0x37: {  	v4 =	vld [tilespmem:s13+$0xFFFFFFC0]  }
0x38: {  	v3 =	vld.idx.msk [tilespmem:v1+s5+$0x0], $0xffff  }
0x39: {  	v1 =	vld [tilespmem:s13+$0x40]  }
0x3a: {  	v9 =	vld [tilespmem:s13+$0xFFFFFFD0]  }
0x3b: {  	v10 =	vld [tilespmem:s13+$0xFFFFFFE0]  }
0x3c: {  	v12 =	vld [tilespmem:s13+$0x0]  }
0x3d: {  	v11 =	vld [tilespmem:s13+$0xFFFFFFF0]  }
0x3e: {  	v6 =	vld [tilespmem:s13+$0x10]  }
0x3f: {  	v8 =	vld [tilespmem:s13+$0x20]  }
0x40: {  	v7 =	vld.idx.msk [tilespmem:v2+s5+$0x0], $0xffff  }
0x41: {  	v13 =	vld.idx.msk [tilespmem:v1+s5+$0x0], $0xffff  }
0x42: {  	v5 =	vld.idx.msk [tilespmem:v4+s5+$0x0], $0xffff  }
0x43: {  	v2 =	vld.idx.msk [tilespmem:v9+s5+$0x0], $0xffff  }
0x44: {  	v4 =	vld.idx.msk [tilespmem:v12+s5+$0x0], $0xffff  }
0x45: {  	s12 =	simm.s32 $0x1B750;
	[tilespmem:s18+$0x1B780] =	vst v3;
	v1 =	vld.idx.msk [tilespmem:v10+s5+$0x0], $0xffff  }
0x46: {  	v3 =	vld.idx.msk [tilespmem:v11+s5+$0x0], $0xffff;
	[tilespmem:s12+$0x40] =	vst v13  }
.LBB2_3:
0x47: {  	s14 =	sadd.s32 $0xA0, s14;
	[tilespmem:s12+$0xFFFFFFB0] =	vst v7;
	v6 =	vld.idx.msk [tilespmem:v6+s5+$0x0], $0xffff  }
0x48: {  	s18 =	sand.u32 $0xFE0, s14;
	[tilespmem:s12+$0xFFFFFFC0] =	vst v5;
	v5 =	vld.idx.msk [tilespmem:v8+s5+$0x0], $0xffff  }
0x49: {  	p2 =	slt.u32 s14, $0xF00;
	v7 =	vld [tilespmem:s18+$0x18780];
	[tilespmem:s12+$0xFFFFFFD0] =	vst v2  }
0x4a: {  	s13 =	sadd.s32 $0xA0, s13;
	v9 =	vld.idx.msk [tilespmem:v0+s5+$0x0], $0xffff;
	[tilespmem:s12+$0xFFFFFFE0] =	vst v1  }
0x4b: {  	v1 =	vld [tilespmem:s13+$0x40];
	[tilespmem:s12+$0xFFFFFFF0] =	vst v3  }
0x4c: {  	v2 =	vld [tilespmem:s13+$0xFFFFFFB0];
	[tilespmem:s12+$0x0] =	vst v4  }
0x4d: {  	v3 =	vld [tilespmem:s13+$0xFFFFFFC0];
	[tilespmem:s12+$0x10] =	vst v6  }
0x4e: {  	v4 =	vld [tilespmem:s13+$0xFFFFFFD0];
	[tilespmem:s12+$0x20] =	vst v5;
	v0 =	vmov v7  }
0x4f: {  	v10 =	vld [tilespmem:s13+$0xFFFFFFE0]  }
0x50: {  	v11 =	vld [tilespmem:s13+$0xFFFFFFF0]  }
0x51: {  	v12 =	vld [tilespmem:s13+$0x0]  }
0x52: {  	v6 =	vld [tilespmem:s13+$0x10]  }
0x53: {  	v13 =	vld.idx.msk [tilespmem:v1+s5+$0x0], $0xffff  }
0x54: {  	v8 =	vld [tilespmem:s13+$0x20]  }
0x55: {  	v7 =	vld.idx.msk [tilespmem:v2+s5+$0x0], $0xffff  }
.Ltmp0:
0x56: {  	v5 =	vld.idx.msk [tilespmem:v3+s5+$0x0], $0xffff;
	(pc) =	sbr.rel @p2 .LBB2_3-.Ltmp0, $4  }
0x57: {  	v2 =	vld.idx.msk [tilespmem:v4+s5+$0x0], $0xffff  }
0x58: {  	s12 =	sadd.s32 $0xA0, s12;
	v1 =	vld.idx.msk [tilespmem:v10+s5+$0x0], $0xffff;
	[tilespmem:s11+$0x1B780] =	vst v9;
	s11 =	smov.u32 s18  }
0x59: {  	v3 =	vld.idx.msk [tilespmem:v11+s5+$0x0], $0xffff;
	[tilespmem:s12+$0x40] =	vst v13  }
0x5a: {  	v4 =	vld.idx.msk [tilespmem:v12+s5+$0x0], $0xffff  }
0x5b: {  	_ =	sdelay $0x3  }
0x5c: {  	v6 =	vld.idx.msk [tilespmem:v6+s5+$0x0], $0xffff  }
0x5d: {  	v8 =	vld.idx.msk [tilespmem:v8+s5+$0x0], $0xffff  }
0x5e: {  	v0 =	vld.idx.msk [tilespmem:v0+s5+$0x0], $0xffff;
	s13 =	sadd.s32 $0xA0, s13  }
0x5f: {  	v9 =	vld [tilespmem:s13+$0x40]  }
0x60: {  	v10 =	vld [tilespmem:s13+$0xFFFFFFB0]  }
0x61: {  	v11 =	vld [tilespmem:s13+$0xFFFFFFC0]  }
0x62: {  	v12 =	vld [tilespmem:s13+$0xFFFFFFD0]  }
0x63: {  	v13 =	vld [tilespmem:s13+$0xFFFFFFE0]  }
0x64: {  	[tilespmem:s12+$0xFFFFFFB0] =	vst v7;
	v7 =	vld [tilespmem:s13+$0xFFFFFFF0]  }
0x65: {  	[tilespmem:s12+$0xFFFFFFC0] =	vst v5;
	v5 =	vld [tilespmem:s13+$0x0]  }
0x66: {  	[tilespmem:s12+$0xFFFFFFD0] =	vst v2;
	v2 =	vld [tilespmem:s13+$0x10]  }
0x67: {  	[tilespmem:s12+$0xFFFFFFF0] =	vst v3;
	v3 =	vld [tilespmem:s13+$0x20]  }
0x68: {  	[tilespmem:s12+$0xFFFFFFE0] =	vst v1;
	v1 =	vld.idx.msk [tilespmem:v9+s5+$0x0], $0xffff  }
0x69: {  	[tilespmem:s12+$0x0] =	vst v4;
	v4 =	vld.idx.msk [tilespmem:v10+s5+$0x0], $0xffff  }
0x6a: {  	[tilespmem:s12+$0x10] =	vst v6;
	v6 =	vld.idx.msk [tilespmem:v11+s5+$0x0], $0xffff  }
0x6b: {  	[tilespmem:s12+$0x20] =	vst v8;
	v8 =	vld.idx.msk [tilespmem:v12+s5+$0x0], $0xffff  }
0x6c: {  	s18 =	sadd.s32 $0xA0, s12;
	[tilespmem:s11+$0x1B780] =	vst v0;
	v9 =	vld.idx.msk [tilespmem:v13+s5+$0x0], $0xffff  }
0x6d: {  	v0 =	vld.idx.msk [tilespmem:v7+s5+$0x0], $0xffff;
	[tilespmem:s18+$0x40] =	vst v1  }
0x6e: {  	v2 =	vld.idx.msk [tilespmem:v2+s5+$0x0], $0xffff;
	[tilespmem:s18+$0xFFFFFFB0] =	vst v4  }
0x6f: {  	v3 =	vld.idx.msk [tilespmem:v3+s5+$0x0], $0xffff;
	[tilespmem:s18+$0xFFFFFFC0] =	vst v6  }
0x70: {  	v1 =	vld.idx.msk [tilespmem:v5+s5+$0x0], $0xffff;
	[tilespmem:s18+$0xFFFFFFD0] =	vst v8  }
0x71: {  	s11 =	smul.u32 $0x2EE0, s9;
	[tilespmem:s18+$0xFFFFFFE0] =	vst v9  }
0x72: {  	[tilespmem:s18+$0xFFFFFFF0] =	vst v0  }
0x73: {  	s19 =	sadd.s32 s6, s11;
	[tilespmem:s18+$0x10] =	vst v2  }
0x74: {  	s13 =	sshrl.u32 s19, $0x3;
	[tilespmem:s18+$0x20] =	vst v3  }
0x75: {  	s14 =	sadd.s32 s3, s13;
	[tilespmem:s18+$0x0] =	vst v1;
	s18 =	sadd.s32 s11, s15  }
0x76: {  	[hbm4b:s14+s5] =	stream.linear.scatter [tilespmem:s25], [sflag:$0x4], $0xFA0, $0x38;
	[tilespmem:$0x1FF70] =	vst v63  }
0x77: {  	s12 =	sshrl.u32 s18, $0x3  }
0x78: {  	s12 =	sadd.s32 s1, s12  }
0x79: {  	[tilespmem:s20], [sflag:$0x1] =	stream.linear.gather [hbm4b:s12+s5], $0xFA0, $0x38;
	[tilespmem:$0x1FF70] =	vst v63  }
0x7a: {  	_ =	swait.ge [sflag:s26], $0xFA0  }
0x7b: {  	[sflag:s26] =	ssyncset.done $0x0  }
0x7c: {  	s12 =	simm.s32 @!p1 $0x5;
	[sflag:s26] =	ssyncadd.s32 $0xFFFFF060  }
0x7d: {  	_ =	swait.ge @!p1 [sflag:s12], $0xFA0  }
0x7e: {  	s19 =	simm.s32 $0x0;
	[sflag:s12] =	ssyncset.done @!p1 $0x0  }
0x7f: {  	s19 =	sand.u32 $0xFE0, s19;
	[sflag:s12] =	ssyncadd.s32 @!p1 $0xFFFFF060  }
0x80: {  	v1 =	vld [tilespmem:s19+$0x19780];
	_ =	sdelay $0x2  }
0x81: {  	s18 =	simm.s32 $0xA0  }
0x82: {  	s12 =	sand.u32 $0xFE0, s18  }
0x83: {  	s14 =	simm.s32 $0x19750;
	v0 =	vld [tilespmem:s12+$0x19780]  }
0x84: {  	v2 =	vld [tilespmem:s14+$0xFFFFFFB0]  }
0x85: {  	v4 =	vld [tilespmem:s14+$0xFFFFFFC0]  }
0x86: {  	v3 =	vld.idx.msk [tilespmem:v1+s5+$0x0], $0xffff  }
0x87: {  	v1 =	vld [tilespmem:s14+$0x40]  }
0x88: {  	v9 =	vld [tilespmem:s14+$0xFFFFFFD0]  }
0x89: {  	v10 =	vld [tilespmem:s14+$0xFFFFFFE0]  }
0x8a: {  	v62 =	vld [tilespmem:s14+$0x0]  }
0x8b: {  	v11 =	vld [tilespmem:s14+$0xFFFFFFF0]  }
0x8c: {  	v6 =	vld [tilespmem:s14+$0x10]  }
0x8d: {  	v8 =	vld [tilespmem:s14+$0x20]  }
0x8e: {  	v7 =	vld.idx.msk [tilespmem:v2+s5+$0x0], $0xffff  }
0x8f: {  	v63 =	vld.idx.msk [tilespmem:v1+s5+$0x0], $0xffff  }
0x90: {  	v5 =	vld.idx.msk [tilespmem:v4+s5+$0x0], $0xffff  }
0x91: {  	v2 =	vld.idx.msk [tilespmem:v9+s5+$0x0], $0xffff  }
0x92: {  	v4 =	vld.idx.msk [tilespmem:v62+s5+$0x0], $0xffff  }
0x93: {  	s13 =	simm.s32 $0x1C750;
	[tilespmem:s19+$0x1C780] =	vst v3;
	v1 =	vld.idx.msk [tilespmem:v10+s5+$0x0], $0xffff  }
0x94: {  	v3 =	vld.idx.msk [tilespmem:v11+s5+$0x0], $0xffff;
	[tilespmem:s13+$0x40] =	vst v63  }
.LBB2_5:
0x95: {  	s18 =	sadd.s32 $0xA0, s18;
	[tilespmem:s13+$0xFFFFFFB0] =	vst v7;
	v6 =	vld.idx.msk [tilespmem:v6+s5+$0x0], $0xffff  }
0x96: {  	s19 =	sand.u32 $0xFE0, s18;
	[tilespmem:s13+$0xFFFFFFC0] =	vst v5;
	v5 =	vld.idx.msk [tilespmem:v8+s5+$0x0], $0xffff  }
0x97: {  	p2 =	slt.u32 s18, $0xF00;
	v7 =	vld [tilespmem:s19+$0x19780];
	[tilespmem:s13+$0xFFFFFFD0] =	vst v2  }
0x98: {  	s14 =	sadd.s32 $0xA0, s14;
	v9 =	vld.idx.msk [tilespmem:v0+s5+$0x0], $0xffff;
	[tilespmem:s13+$0xFFFFFFE0] =	vst v1  }
0x99: {  	v1 =	vld [tilespmem:s14+$0x40];
	[tilespmem:s13+$0xFFFFFFF0] =	vst v3  }
0x9a: {  	v2 =	vld [tilespmem:s14+$0xFFFFFFB0];
	[tilespmem:s13+$0x0] =	vst v4  }
0x9b: {  	v3 =	vld [tilespmem:s14+$0xFFFFFFC0];
	[tilespmem:s13+$0x10] =	vst v6  }
0x9c: {  	v4 =	vld [tilespmem:s14+$0xFFFFFFD0];
	[tilespmem:s13+$0x20] =	vst v5;
	v0 =	vmov v7  }
0x9d: {  	v10 =	vld [tilespmem:s14+$0xFFFFFFE0]  }
0x9e: {  	v11 =	vld [tilespmem:s14+$0xFFFFFFF0]  }
0x9f: {  	v12 =	vld [tilespmem:s14+$0x0]  }
0xa0: {  	v6 =	vld [tilespmem:s14+$0x10]  }
0xa1: {  	v13 =	vld.idx.msk [tilespmem:v1+s5+$0x0], $0xffff  }
0xa2: {  	v8 =	vld [tilespmem:s14+$0x20]  }
0xa3: {  	v7 =	vld.idx.msk [tilespmem:v2+s5+$0x0], $0xffff  }
.Ltmp1:
0xa4: {  	v5 =	vld.idx.msk [tilespmem:v3+s5+$0x0], $0xffff;
	(pc) =	sbr.rel @p2 .LBB2_5-.Ltmp1, $4  }
0xa5: {  	v2 =	vld.idx.msk [tilespmem:v4+s5+$0x0], $0xffff  }
0xa6: {  	s13 =	sadd.s32 $0xA0, s13;
	v1 =	vld.idx.msk [tilespmem:v10+s5+$0x0], $0xffff;
	[tilespmem:s12+$0x1C780] =	vst v9;
	s12 =	smov.u32 s19  }
0xa7: {  	v3 =	vld.idx.msk [tilespmem:v11+s5+$0x0], $0xffff;
	[tilespmem:s13+$0x40] =	vst v13  }
0xa8: {  	v4 =	vld.idx.msk [tilespmem:v12+s5+$0x0], $0xffff  }
0xa9: {  	_ =	sdelay $0x3  }
0xaa: {  	v6 =	vld.idx.msk [tilespmem:v6+s5+$0x0], $0xffff  }
0xab: {  	v8 =	vld.idx.msk [tilespmem:v8+s5+$0x0], $0xffff  }
0xac: {  	v0 =	vld.idx.msk [tilespmem:v0+s5+$0x0], $0xffff;
	s14 =	sadd.s32 $0xA0, s14  }
0xad: {  	v9 =	vld [tilespmem:s14+$0x40]  }
0xae: {  	v10 =	vld [tilespmem:s14+$0xFFFFFFB0]  }
0xaf: {  	v11 =	vld [tilespmem:s14+$0xFFFFFFC0]  }
0xb0: {  	v12 =	vld [tilespmem:s14+$0xFFFFFFD0]  }
0xb1: {  	v13 =	vld [tilespmem:s14+$0xFFFFFFE0]  }
0xb2: {  	[tilespmem:s13+$0xFFFFFFB0] =	vst v7;
	v53 =	vld [tilespmem:s14+$0xFFFFFFF0]  }
0xb3: {  	[tilespmem:s13+$0xFFFFFFC0] =	vst v5;
	v54 =	vld [tilespmem:s14+$0x0]  }
0xb4: {  	[tilespmem:s13+$0xFFFFFFD0] =	vst v2;
	v55 =	vld [tilespmem:s14+$0x10]  }
0xb5: {  	v57 =	vld [tilespmem:s14+$0x20];
	[tilespmem:s13+$0xFFFFFFE0] =	vst v1  }
0xb6: {  	[tilespmem:s13+$0xFFFFFFF0] =	vst v3;
	v56 =	vld.idx.msk [tilespmem:v9+s5+$0x0], $0xffff  }
0xb7: {  	[tilespmem:s13+$0x0] =	vst v4;
	v58 =	vld.idx.msk [tilespmem:v10+s5+$0x0], $0xffff  }
0xb8: {  	[tilespmem:s13+$0x10] =	vst v6;
	v59 =	vld.idx.msk [tilespmem:v11+s5+$0x0], $0xffff  }
0xb9: {  	[tilespmem:s13+$0x20] =	vst v8;
	v60 =	vld.idx.msk [tilespmem:v12+s5+$0x0], $0xffff  }
0xba: {  	s14 =	sadd.s32 $0xA0, s13;
	[tilespmem:s12+$0x1C780] =	vst v0;
	v61 =	vld.idx.msk [tilespmem:v13+s5+$0x0], $0xffff  }
0xbb: {  	v62 =	vld.idx.msk [tilespmem:v53+s5+$0x0], $0xffff;
	[tilespmem:s14+$0x40] =	vst v56  }
0xbc: {  	v63 =	vld.idx.msk [tilespmem:v54+s5+$0x0], $0xffff;
	[tilespmem:s14+$0xFFFFFFB0] =	vst v58  }
0xbd: {  	v2 =	vld.idx.msk [tilespmem:v55+s5+$0x0], $0xffff;
	[tilespmem:s14+$0xFFFFFFC0] =	vst v59  }
0xbe: {  	v3 =	vld.idx.msk [tilespmem:v57+s5+$0x0], $0xffff;
	[tilespmem:s14+$0xFFFFFFD0] =	vst v60  }
0xbf: {  	p2 =	sne.s32 s9, $0x20;
	[tilespmem:s14+$0xFFFFFFE0] =	vst v61  }
.Ltmp2:
0xc0: {  	[tilespmem:s14+$0xFFFFFFF0] =	vst v62;
	(pc) =	sbr.rel @p2 .LBB2_8-.Ltmp2, $4  }
0xc1: {  	s18 =	sadd.s32 s11, s7;
	[tilespmem:s14+$0x0] =	vst v63  }
0xc2: {  	s13 =	sshrl.u32 s18, $0x3;
	[tilespmem:s14+$0x10] =	vst v2  }
0xc3: {  	s19 =	sadd.s32 s3, s13;
	[tilespmem:s14+$0x20] =	vst v3  }
0xc4: {  	[hbm4b:s19+s5] =	stream.linear.scatter [tilespmem:s28], [sflag:$0x5], $0xFA0, $0x38;
	[tilespmem:$0x1FF70] =	vst v63  }
.Ltmp3:
0xc5: {  	(pc) =	sbr.rel .LBB2_9-.Ltmp3, $4  }
0xc6: {  	_ = 	snop  }
0xc7: {  	_ =	swait.ge [sflag:s29], $0xFA0  }
0xc8: {  	[sflag:s29] =	ssyncset.done $0x0  }
0xc9: {  	[sflag:s29] =	ssyncadd.s32 $0xFFFFF060  }
.LBB2_8:
0xca: {  	s12 =	sadd.s32 s11, s16  }
0xcb: {  	s12 =	sshrl.u32 s12, $0x3  }
.Ltmp4:
0xcc: {  	s12 =	sadd.s32 s1, s12;
	(pc) =	sbr.rel @p1 .LBB2_10-.Ltmp4, $4  }
0xcd: {  	[tilespmem:s21], [sflag:$0x2] =	stream.linear.gather [hbm4b:s12+s5], $0xFA0, $0x38;
	[tilespmem:$0x1FF70] =	vst v63  }
0xce: {  	_ =	swait.ge [sflag:s29], $0xFA0  }
0xcf: {  	[sflag:s29] =	ssyncset.done $0x0  }
0xd0: {  	[sflag:s29] =	ssyncadd.s32 $0xFFFFF060  }
.LBB2_9:
0xd1: {  	_ =	swait.ge [sflag:s30], $0xFA0  }
0xd2: {  	[sflag:s30] =	ssyncset.done $0x0  }
0xd3: {  	[sflag:s30] =	ssyncadd.s32 $0xFFFFF060  }
.LBB2_10:
0xd4: {  	s12 =	simm.s32 $0x0  }
0xd5: {  	s19 =	sand.u32 $0xFE0, s12  }
0xd6: {  	v1 =	vld [tilespmem:s19+$0x1A780];
	_ =	sdelay $0x3  }
0xd7: {  	s14 =	simm.s32 $0x1A750  }
0xd8: {  	v2 =	vld [tilespmem:s14+$0xFFFFFFB0]  }
0xd9: {  	v4 =	vld [tilespmem:s14+$0xFFFFFFC0]  }
0xda: {  	v9 =	vld [tilespmem:s14+$0xFFFFFFD0]  }
0xdb: {  	v3 =	vld.idx.msk [tilespmem:v1+s5+$0x0], $0xffff  }
0xdc: {  	v1 =	vld [tilespmem:s14+$0x40]  }
0xdd: {  	v10 =	vld [tilespmem:s14+$0xFFFFFFE0]  }
0xde: {  	v11 =	vld [tilespmem:s14+$0xFFFFFFF0]  }
0xdf: {  	v12 =	vld [tilespmem:s14+$0x0]  }
0xe0: {  	s18 =	simm.s32 $0xA0;
	v6 =	vld [tilespmem:s14+$0x10]  }
0xe1: {  	s12 =	sand.u32 $0xFE0, s18;
	v8 =	vld [tilespmem:s14+$0x20]  }
0xe2: {  	v0 =	vld [tilespmem:s12+$0x1A780]  }
0xe3: {  	v7 =	vld.idx.msk [tilespmem:v2+s5+$0x0], $0xffff  }
0xe4: {  	v13 =	vld.idx.msk [tilespmem:v1+s5+$0x0], $0xffff  }
0xe5: {  	v5 =	vld.idx.msk [tilespmem:v4+s5+$0x0], $0xffff  }
0xe6: {  	v2 =	vld.idx.msk [tilespmem:v9+s5+$0x0], $0xffff  }
0xe7: {  	v4 =	vld.idx.msk [tilespmem:v12+s5+$0x0], $0xffff  }
0xe8: {  	s13 =	simm.s32 $0x1D750;
	[tilespmem:s19+$0x1D780] =	vst v3;
	v1 =	vld.idx.msk [tilespmem:v10+s5+$0x0], $0xffff  }
0xe9: {  	v3 =	vld.idx.msk [tilespmem:v11+s5+$0x0], $0xffff;
	[tilespmem:s13+$0x40] =	vst v13  }
.LBB2_11:
0xea: {  	s18 =	sadd.s32 $0xA0, s18;
	[tilespmem:s13+$0xFFFFFFB0] =	vst v7;
	v6 =	vld.idx.msk [tilespmem:v6+s5+$0x0], $0xffff  }
0xeb: {  	s19 =	sand.u32 $0xFE0, s18;
	[tilespmem:s13+$0xFFFFFFC0] =	vst v5;
	v5 =	vld.idx.msk [tilespmem:v8+s5+$0x0], $0xffff  }
0xec: {  	p1 =	slt.u32 s18, $0xF00;
	v7 =	vld [tilespmem:s19+$0x1A780];
	[tilespmem:s13+$0xFFFFFFD0] =	vst v2  }
0xed: {  	s14 =	sadd.s32 $0xA0, s14;
	v9 =	vld.idx.msk [tilespmem:v0+s5+$0x0], $0xffff;
	[tilespmem:s13+$0xFFFFFFE0] =	vst v1  }
0xee: {  	v1 =	vld [tilespmem:s14+$0x40];
	[tilespmem:s13+$0xFFFFFFF0] =	vst v3  }
0xef: {  	v2 =	vld [tilespmem:s14+$0xFFFFFFB0];
	[tilespmem:s13+$0x0] =	vst v4  }
0xf0: {  	v3 =	vld [tilespmem:s14+$0xFFFFFFC0];
	[tilespmem:s13+$0x10] =	vst v6  }
0xf1: {  	v4 =	vld [tilespmem:s14+$0xFFFFFFD0];
	[tilespmem:s13+$0x20] =	vst v5;
	v0 =	vmov v7  }
0xf2: {  	v10 =	vld [tilespmem:s14+$0xFFFFFFE0]  }
0xf3: {  	v11 =	vld [tilespmem:s14+$0xFFFFFFF0]  }
0xf4: {  	v12 =	vld [tilespmem:s14+$0x0]  }
0xf5: {  	v6 =	vld [tilespmem:s14+$0x10]  }
0xf6: {  	v13 =	vld.idx.msk [tilespmem:v1+s5+$0x0], $0xffff  }
0xf7: {  	v8 =	vld [tilespmem:s14+$0x20]  }
0xf8: {  	v7 =	vld.idx.msk [tilespmem:v2+s5+$0x0], $0xffff  }
.Ltmp5:
0xf9: {  	v5 =	vld.idx.msk [tilespmem:v3+s5+$0x0], $0xffff;
	(pc) =	sbr.rel @p1 .LBB2_11-.Ltmp5, $4  }
0xfa: {  	v2 =	vld.idx.msk [tilespmem:v4+s5+$0x0], $0xffff  }
0xfb: {  	s13 =	sadd.s32 $0xA0, s13;
	v1 =	vld.idx.msk [tilespmem:v10+s5+$0x0], $0xffff;
	[tilespmem:s12+$0x1D780] =	vst v9;
	s12 =	smov.u32 s19  }
0xfc: {  	v3 =	vld.idx.msk [tilespmem:v11+s5+$0x0], $0xffff;
	[tilespmem:s13+$0x40] =	vst v13  }
0xfd: {  	v4 =	vld.idx.msk [tilespmem:v12+s5+$0x0], $0xffff  }
0xfe: {  	_ =	sdelay $0x3  }
0xff: {  	v6 =	vld.idx.msk [tilespmem:v6+s5+$0x0], $0xffff  }
0x100: {  	v8 =	vld.idx.msk [tilespmem:v8+s5+$0x0], $0xffff  }
0x101: {  	v0 =	vld.idx.msk [tilespmem:v0+s5+$0x0], $0xffff;
	s14 =	sadd.s32 $0xA0, s14  }
0x102: {  	v9 =	vld [tilespmem:s14+$0x40]  }
0x103: {  	v10 =	vld [tilespmem:s14+$0xFFFFFFB0]  }
0x104: {  	v11 =	vld [tilespmem:s14+$0xFFFFFFC0]  }
0x105: {  	v12 =	vld [tilespmem:s14+$0xFFFFFFD0]  }
0x106: {  	v13 =	vld [tilespmem:s14+$0xFFFFFFE0]  }
0x107: {  	[tilespmem:s13+$0xFFFFFFB0] =	vst v7;
	v53 =	vld [tilespmem:s14+$0xFFFFFFF0]  }
0x108: {  	[tilespmem:s13+$0xFFFFFFC0] =	vst v5;
	v54 =	vld [tilespmem:s14+$0x0]  }
0x109: {  	[tilespmem:s13+$0xFFFFFFD0] =	vst v2;
	v55 =	vld [tilespmem:s14+$0x10]  }
0x10a: {  	v57 =	vld [tilespmem:s14+$0x20];
	[tilespmem:s13+$0xFFFFFFE0] =	vst v1  }
0x10b: {  	[tilespmem:s13+$0xFFFFFFF0] =	vst v3;
	v56 =	vld.idx.msk [tilespmem:v9+s5+$0x0], $0xffff  }
0x10c: {  	[tilespmem:s13+$0x0] =	vst v4;
	v58 =	vld.idx.msk [tilespmem:v10+s5+$0x0], $0xffff  }
0x10d: {  	[tilespmem:s13+$0x10] =	vst v6;
	v59 =	vld.idx.msk [tilespmem:v11+s5+$0x0], $0xffff  }
0x10e: {  	[tilespmem:s13+$0x20] =	vst v8;
	v60 =	vld.idx.msk [tilespmem:v12+s5+$0x0], $0xffff  }
0x10f: {  	s14 =	sadd.s32 $0xA0, s13;
	[tilespmem:s12+$0x1D780] =	vst v0;
	v61 =	vld.idx.msk [tilespmem:v13+s5+$0x0], $0xffff  }
0x110: {  	v62 =	vld.idx.msk [tilespmem:v53+s5+$0x0], $0xffff;
	[tilespmem:s14+$0x40] =	vst v56  }
0x111: {  	v63 =	vld.idx.msk [tilespmem:v54+s5+$0x0], $0xffff;
	[tilespmem:s14+$0xFFFFFFB0] =	vst v58  }
0x112: {  	v2 =	vld.idx.msk [tilespmem:v55+s5+$0x0], $0xffff;
	[tilespmem:s14+$0xFFFFFFC0] =	vst v59  }
0x113: {  	v3 =	vld.idx.msk [tilespmem:v57+s5+$0x0], $0xffff;
	[tilespmem:s14+$0xFFFFFFD0] =	vst v60  }
0x114: {  	p1 =	seq.s32 s9, $0x20;
	[tilespmem:s14+$0xFFFFFFE0] =	vst v61  }
.Ltmp6:
0x115: {  	[tilespmem:s14+$0xFFFFFFF0] =	vst v62;
	(pc) =	sbr.rel @p1 .LBB2_14-.Ltmp6, $4  }
0x116: {  	s18 =	sadd.s32 s11, s10;
	[tilespmem:s14+$0x0] =	vst v63  }
0x117: {  	s13 =	sshrl.u32 s18, $0x3;
	[tilespmem:s14+$0x10] =	vst v2  }
0x118: {  	s19 =	sadd.s32 s3, s13;
	[tilespmem:s14+$0x20] =	vst v3  }
0x119: {  	[hbm4b:s19+s5] =	stream.linear.scatter [tilespmem:s31], [sflag:$0x6], $0xFA0, $0x38;
	[tilespmem:$0x1FF70] =	vst v63  }
.Ltmp7:
0x11a: {  	(pc) =	sbr.rel .LBB2_2-.Ltmp7, $4  }
0x11b: {  	s11 =	sadd.s32 s11, s17  }
0x11c: {  	s11 =	sshrl.u32 s11, $0x3  }
0x11d: {  	s9 =	sadd.s32 $0x1, s9;
	s11 =	sadd.s32 s1, s11  }
0x11e: {  	[tilespmem:s22], [sflag:$0x3] =	stream.linear.gather [hbm4b:s11+s5], $0xFA0, $0x38;
	[tilespmem:$0x1FF70] =	vst v63  }
.LBB2_14:
0x11f: {  	_ =	swait.ge [sflag:s24], $0xFA0  }
0x120: {  	[sflag:s24] =	ssyncset.done $0x0  }
0x121: {  	[sflag:s24] =	ssyncadd.s32 $0xFFFFF060  }
0x122: {  	_ =	swait.ge [sflag:s0], $0xFA0  }
0x123: {  	s9 =	simm.s32 $0x0;
	[sflag:s0] =	ssyncset.done $0x0  }
0x124: {  	s14 =	sand.u32 $0xFE0, s9;
	[sflag:s0] =	ssyncadd.s32 $0xFFFFF060  }
0x125: {  	v1 =	vld [tilespmem:s14+$0x18780];
	_ =	sdelay $0x2  }
0x126: {  	s13 =	simm.s32 $0xA0  }
0x127: {  	s9 =	sand.u32 $0xFE0, s13  }
0x128: {  	s12 =	simm.s32 $0x18750;
	v0 =	vld [tilespmem:s9+$0x18780]  }
0x129: {  	v2 =	vld [tilespmem:s12+$0xFFFFFFB0]  }
0x12a: {  	v4 =	vld [tilespmem:s12+$0xFFFFFFC0]  }
0x12b: {  	v3 =	vld.idx.msk [tilespmem:v1+s5+$0x0], $0xffff  }
0x12c: {  	v1 =	vld [tilespmem:s12+$0x40]  }
0x12d: {  	v9 =	vld [tilespmem:s12+$0xFFFFFFD0]  }
0x12e: {  	v10 =	vld [tilespmem:s12+$0xFFFFFFE0]  }
0x12f: {  	v12 =	vld [tilespmem:s12+$0x0]  }
0x130: {  	v11 =	vld [tilespmem:s12+$0xFFFFFFF0]  }
0x131: {  	v6 =	vld [tilespmem:s12+$0x10]  }
0x132: {  	v8 =	vld [tilespmem:s12+$0x20]  }
0x133: {  	v7 =	vld.idx.msk [tilespmem:v2+s5+$0x0], $0xffff  }
0x134: {  	v13 =	vld.idx.msk [tilespmem:v1+s5+$0x0], $0xffff  }
0x135: {  	v5 =	vld.idx.msk [tilespmem:v4+s5+$0x0], $0xffff  }
0x136: {  	v2 =	vld.idx.msk [tilespmem:v9+s5+$0x0], $0xffff  }
0x137: {  	v4 =	vld.idx.msk [tilespmem:v12+s5+$0x0], $0xffff  }
0x138: {  	s11 =	simm.s32 $0x1B750;
	[tilespmem:s14+$0x1B780] =	vst v3;
	v1 =	vld.idx.msk [tilespmem:v10+s5+$0x0], $0xffff  }
0x139: {  	v3 =	vld.idx.msk [tilespmem:v11+s5+$0x0], $0xffff;
	[tilespmem:s11+$0x40] =	vst v13  }
.LBB2_15:
0x13a: {  	s13 =	sadd.s32 $0xA0, s13;
	[tilespmem:s11+$0xFFFFFFB0] =	vst v7;
	v6 =	vld.idx.msk [tilespmem:v6+s5+$0x0], $0xffff  }
0x13b: {  	s14 =	sand.u32 $0xFE0, s13;
	[tilespmem:s11+$0xFFFFFFC0] =	vst v5;
	v5 =	vld.idx.msk [tilespmem:v8+s5+$0x0], $0xffff  }
0x13c: {  	p1 =	slt.u32 s13, $0xF00;
	v7 =	vld [tilespmem:s14+$0x18780];
	[tilespmem:s11+$0xFFFFFFD0] =	vst v2  }
0x13d: {  	s12 =	sadd.s32 $0xA0, s12;
	v9 =	vld.idx.msk [tilespmem:v0+s5+$0x0], $0xffff;
	[tilespmem:s11+$0xFFFFFFE0] =	vst v1  }
0x13e: {  	v1 =	vld [tilespmem:s12+$0x40];
	[tilespmem:s11+$0xFFFFFFF0] =	vst v3  }
0x13f: {  	v2 =	vld [tilespmem:s12+$0xFFFFFFB0];
	[tilespmem:s11+$0x0] =	vst v4  }
0x140: {  	v3 =	vld [tilespmem:s12+$0xFFFFFFC0];
	[tilespmem:s11+$0x10] =	vst v6  }
0x141: {  	v4 =	vld [tilespmem:s12+$0xFFFFFFD0];
	[tilespmem:s11+$0x20] =	vst v5;
	v0 =	vmov v7  }
0x142: {  	v10 =	vld [tilespmem:s12+$0xFFFFFFE0]  }
0x143: {  	v11 =	vld [tilespmem:s12+$0xFFFFFFF0]  }
0x144: {  	v12 =	vld [tilespmem:s12+$0x0]  }
0x145: {  	v6 =	vld [tilespmem:s12+$0x10]  }
0x146: {  	v13 =	vld.idx.msk [tilespmem:v1+s5+$0x0], $0xffff  }
0x147: {  	v8 =	vld [tilespmem:s12+$0x20]  }
0x148: {  	v7 =	vld.idx.msk [tilespmem:v2+s5+$0x0], $0xffff  }
.Ltmp8:
0x149: {  	v5 =	vld.idx.msk [tilespmem:v3+s5+$0x0], $0xffff;
	(pc) =	sbr.rel @p1 .LBB2_15-.Ltmp8, $4  }
0x14a: {  	v2 =	vld.idx.msk [tilespmem:v4+s5+$0x0], $0xffff  }
0x14b: {  	s11 =	sadd.s32 $0xA0, s11;
	v1 =	vld.idx.msk [tilespmem:v10+s5+$0x0], $0xffff;
	[tilespmem:s9+$0x1B780] =	vst v9;
	s9 =	smov.u32 s14  }
0x14c: {  	v3 =	vld.idx.msk [tilespmem:v11+s5+$0x0], $0xffff;
	[tilespmem:s11+$0x40] =	vst v13  }
0x14d: {  	v4 =	vld.idx.msk [tilespmem:v12+s5+$0x0], $0xffff  }
0x14e: {  	_ =	sdelay $0x3  }
0x14f: {  	v6 =	vld.idx.msk [tilespmem:v6+s5+$0x0], $0xffff  }
0x150: {  	v8 =	vld.idx.msk [tilespmem:v8+s5+$0x0], $0xffff  }
0x151: {  	v0 =	vld.idx.msk [tilespmem:v0+s5+$0x0], $0xffff;
	s12 =	sadd.s32 $0xA0, s12  }
0x152: {  	v9 =	vld [tilespmem:s12+$0x40]  }
0x153: {  	v10 =	vld [tilespmem:s12+$0xFFFFFFB0]  }
0x154: {  	v11 =	vld [tilespmem:s12+$0xFFFFFFC0]  }
0x155: {  	v12 =	vld [tilespmem:s12+$0xFFFFFFD0]  }
0x156: {  	v13 =	vld [tilespmem:s12+$0xFFFFFFE0]  }
0x157: {  	[tilespmem:s11+$0xFFFFFFB0] =	vst v7;
	v53 =	vld [tilespmem:s12+$0xFFFFFFF0]  }
0x158: {  	[tilespmem:s11+$0xFFFFFFC0] =	vst v5;
	v54 =	vld [tilespmem:s12+$0x0]  }
0x159: {  	[tilespmem:s11+$0xFFFFFFD0] =	vst v2;
	v55 =	vld [tilespmem:s12+$0x10]  }
0x15a: {  	v57 =	vld [tilespmem:s12+$0x20];
	[tilespmem:s11+$0xFFFFFFE0] =	vst v1  }
0x15b: {  	[tilespmem:s11+$0xFFFFFFF0] =	vst v3;
	v56 =	vld.idx.msk [tilespmem:v9+s5+$0x0], $0xffff  }
0x15c: {  	[tilespmem:s11+$0x0] =	vst v4;
	v58 =	vld.idx.msk [tilespmem:v10+s5+$0x0], $0xffff  }
0x15d: {  	[tilespmem:s11+$0x10] =	vst v6;
	v59 =	vld.idx.msk [tilespmem:v11+s5+$0x0], $0xffff  }
0x15e: {  	[tilespmem:s11+$0x20] =	vst v8;
	v60 =	vld.idx.msk [tilespmem:v12+s5+$0x0], $0xffff  }
0x15f: {  	s18 =	sadd.s32 $0xA0, s11;
	[tilespmem:s9+$0x1B780] =	vst v0;
	v61 =	vld.idx.msk [tilespmem:v13+s5+$0x0], $0xffff  }
0x160: {  	v62 =	vld.idx.msk [tilespmem:v53+s5+$0x0], $0xffff;
	[tilespmem:s18+$0x40] =	vst v56  }
0x161: {  	v63 =	vld.idx.msk [tilespmem:v54+s5+$0x0], $0xffff;
	[tilespmem:s18+$0xFFFFFFB0] =	vst v58  }
0x162: {  	v2 =	vld.idx.msk [tilespmem:v55+s5+$0x0], $0xffff;
	[tilespmem:s18+$0xFFFFFFC0] =	vst v59  }
0x163: {  	v3 =	vld.idx.msk [tilespmem:v57+s5+$0x0], $0xffff;
	[tilespmem:s18+$0xFFFFFFD0] =	vst v60  }
0x164: {  	[tilespmem:s18+$0xFFFFFFE0] =	vst v61  }
0x165: {  	[tilespmem:s18+$0xFFFFFFF0] =	vst v62  }
0x166: {  	[tilespmem:s18+$0x0] =	vst v63  }
0x167: {  	[tilespmem:s18+$0x10] =	vst v2  }
0x168: {  	[tilespmem:s18+$0x20] =	vst v3  }
0x169: {  	s9 =	rddreg [dreg:$0xa]  }
0x16a: {  	[hbm4b:s9+s5] =	stream.linear.scatter [tilespmem:s25], [sflag:$0x4], $0xFA0, $0x38;
	[tilespmem:$0x1FF70] =	vst v63  }
0x16b: {  	_ =	swait.ge [sflag:s0], $0xFA0  }
0x16c: {  	[sflag:s0] =	ssyncset.done $0x0  }
0x16d: {  	[sflag:s0] =	ssyncadd.s32 $0xFFFFF060  }
0x16e: {  	_ =	swait.ge [sflag:s2], $0xFA0  }
0x16f: {  	[sflag:s2] =	ssyncset.done $0x0  }
0x170: {  	[sflag:s2] =	ssyncadd.s32 $0xFFFFF060  }
0x171: {  	_ =	swait.ge [sflag:s30], $0xFA0  }
0x172: {  	s4 =	sadd.s32 $0x1, s4;
	s19 =	rddreg [dreg:$0xb]  }
0x173: {  	p1 =	sne.s32 s4, s19  }
.Ltmp9:
0x174: {  	_ = 	snop;
	(pc) =	sbr.rel @p1 .LBB2_1-.Ltmp9, $3  }
0x175: {  	_ =	sdelay $0x1  }
0x176: {  	[sflag:s30] =	ssyncset.done $0x0  }
0x177: {  	[sflag:s30] =	ssyncadd.s32 $0xFFFFF060  }
0x178: {  	_ =	sfence.sel $0x180000  }
0x179: {  	[bflag:$0x0] =	sbarrier.arrive $0xFFFF  }
0x17a: {  	_ =	strace $0x90000047  }
0x17b: {  	s0 =	stileid.u32;
	[bflag:$0x2] =	sbarrier.arrive $0xFFFF  }
0x17c: {  	p0 =	sne.s32 s0, $0x0;
	s0 =	rddreg [dreg:$0x4]  }
0x17d: {  	s0 =	sadd.s32 @!p0 $0x100000, s0  }
0x17e: {  	[sflag:s0] =	ssyncadd.tile.s32 @!p0 $0x1;
	_ =	shalt  }
.Lfunc_end2:
_tile_overlayer_lowered:
.L_overlay_start_2:
0x17f: {  	(tag) =	ssettag $0x2  }
0x180: {  	s0 =	rddreg [dreg:$0x0];
	s2 =	stileid.u32  }
0x181: {  	s1 =	rddreg [dreg:$0x1];
	p0 =	sne.s32 s2, $0x0  }
0x182: {  	s3 =	rddreg [dreg:$0x2];
	[bflag:$0x3] =	sbarrier.arrive $0xFFFF;
	s2 =	simm.s32 @!p0 $0x1C08  }
0x183: {  	[timem:s3], [sflag:s2] =	dma.local @!p0 [hbm:s0], s1  }
0x184: {  	s0 =	simm.s32 @!p0 $0x8  }
0x185: {  	_ =	swait.ge @!p0 [sflag:s0], s1  }
0x186: {  	s1 =	ssub.s32 @!p0 $0x0, s1;
	[sflag:s0] =	ssyncset.done @!p0 $0x0  }
0x187: {  	[sflag:s0] =	ssyncadd.s32 @!p0 s1  }
0x188: {  	[bflag:$0x3] =	sbarrier.arrive $0xFFFF  }
0x189: {  	_ =	shalt  }

</sc_bundles>
